<compile_context>
chip_gen: v7x
topology: tpu7x:2x2x1
jax: 0.10.2.dev20260603
libtpu: 0.0.44.dev20260713+nightly
codegen_flags: <defaults>
</compile_context>

<pallas_src>
import functools

import jax
import jax.numpy as jnp
from jax import lax
from jax.experimental import pallas as pl
from jax.experimental.pallas import tpu as pltpu
from jax.experimental.pallas import tpu_sc as plsc

_K = 16
_HW = 1024
_NPAIR = 32


def _proj_z_body(x_ref, w_ref, b1_ref, b2_ref, a_ref, b_ref, z_ref):
    for f in range(9):
        Xf = x_ref[0, f].reshape(_HW, x_ref.shape[-1])
        y = jnp.dot(Xf, w_ref[...],
                    preferred_element_type=jnp.float32)
        yt = jnp.transpose(y)
        if f < 8:
            a_ref[f, :] = yt[0, :] + b1_ref[0]
        if f >= 1:
            b_ref[f - 1, :] = yt[1, :] + b2_ref[0]

    for p in range(8):
        av = a_ref[p:p + 1, :]
        bv = b_ref[p:p + 1, :]
        at = jnp.transpose(av)
        bmax = jnp.max(bv)
        bmin = jnp.min(bv)
        m = jnp.where(at > 0, at * bmax, at * bmin)
        E = jnp.exp(at * bv - m)
        zc = jnp.sum(E, axis=1, keepdims=True)
        z_ref[p:p + 1, :] = jnp.transpose(zc)


def _sc_body(a_hbm, b_hbm, z_hbm, out_hbm,
             a_v, b_v, z_v, m_v, r_v, top_v, bot_v, vals_v):
    cid = lax.axis_index("c")
    sid = lax.axis_index("s")
    p = sid * 2 + cid
    n = p // 8
    t = p % 8

    pltpu.sync_copy(a_hbm.at[p], a_v)
    pltpu.sync_copy(b_hbm.at[p], b_v)
    pltpu.sync_copy(z_hbm.at[p], z_v)

    def merge_body(i, carry):
        top, bot = carry
        cha = jnp.sort(b_v[pl.ds(i * _K, _K)])
        chd = jnp.flip(cha, 0)
        top = jnp.flip(jnp.sort(jnp.maximum(top, cha)), 0)
        bot = jnp.sort(jnp.minimum(bot, chd))
        return top, bot

    top, bot = lax.fori_loop(
        0, _HW // _K, merge_body,
        (jnp.full((_K,), -jnp.inf, jnp.float32),
         jnp.full((_K,), jnp.inf, jnp.float32)))
    top_v[...] = top
    bot_v[...] = bot

    bmax = jnp.broadcast_to(jnp.max(top), (_K,))
    bmin = jnp.broadcast_to(jnp.min(bot), (_K,))

    def mr_body(i, carry):
        ach = a_v[pl.ds(i * _K, _K)]
        m_v[pl.ds(i * _K, _K)] = jnp.where(ach > 0, ach * bmax, ach * bmin)
        r_v[pl.ds(i * _K, _K)] = 1.0 / z_v[pl.ds(i * _K, _K)]
        return carry

    lax.fori_loop(0, _HW // _K, mr_body, 0)

    tb = [bmax] + [plsc.load_gather(top_v, [jnp.full((_K,), k, jnp.int32)])
                   for k in range(1, _K)]
    bb = [bmin] + [plsc.load_gather(bot_v, [jnp.full((_K,), k, jnp.int32)])
                   for k in range(1, _K)]
    lane = lax.iota(jnp.int32, _K)

    def val_body(i, carry):
        ach = a_v[pl.ds(i * _K, _K)]
        mch = m_v[pl.ds(i * _K, _K)]
        rch = r_v[pl.ds(i * _K, _K)]
        pos = ach > 0
        base = (i * _K + lane) * _K
        for k in range(_K):
            csel = jnp.where(pos, tb[k], bb[k])
            val = jnp.exp(ach * csel - mch) * rch
            plsc.store_scatter(vals_v, [base + k], val)
        return carry

    lax.fori_loop(0, _HW // _K, val_body, 0)

    for kk in range(_K):
        row = n * (_K * 8) + kk * 8 + t
        pltpu.sync_copy(vals_v.at[pl.ds(kk * _HW, _HW)], out_hbm.at[row])


@functools.cache
def _sc_topk():
    mesh = plsc.VectorSubcoreMesh(core_axis_name="c", subcore_axis_name="s")
    return pl.kernel(
        _sc_body,
        mesh=mesh,
        compiler_params=pltpu.CompilerParams(needs_layout_passes=False),
        out_type=jax.ShapeDtypeStruct((4 * _K * 8, _HW), jnp.float32),
        scratch_types=[
            pltpu.VMEM((_HW,), jnp.float32),
            pltpu.VMEM((_HW,), jnp.float32),
            pltpu.VMEM((_HW,), jnp.float32),
            pltpu.VMEM((_HW,), jnp.float32),
            pltpu.VMEM((_HW,), jnp.float32),
            pltpu.VMEM((_K,), jnp.float32),
            pltpu.VMEM((_K,), jnp.float32),
            pltpu.VMEM((_HW * _K,), jnp.float32),
        ],
    )


def kernel(x, W1, b1, W2, b2):
    n, c, s, h, w = x.shape
    hw = h * w
    xt = jnp.transpose(x, (0, 2, 3, 4, 1))
    WcT = jnp.concatenate([W1, W2], axis=0).T

    npair = n * (s - 1)
    a_full, b_full, z_full = pl.pallas_call(
        _proj_z_body,
        grid=(n,),
        in_specs=[
            pl.BlockSpec((1, s, h, w, c), lambda i: (i, 0, 0, 0, 0)),
            pl.BlockSpec((c, 2), lambda i: (0, 0)),
            pl.BlockSpec((1,), lambda i: (0,)),
            pl.BlockSpec((1,), lambda i: (0,)),
        ],
        out_specs=[
            pl.BlockSpec((s - 1, hw), lambda i: (i, 0)),
            pl.BlockSpec((s - 1, hw), lambda i: (i, 0)),
            pl.BlockSpec((s - 1, hw), lambda i: (i, 0)),
        ],
        out_shape=[jax.ShapeDtypeStruct((npair, hw), jnp.float32)] * 3,
    )(xt, WcT, b1, b2)

    out = _sc_topk()(a_full, b_full, z_full)
    return out.reshape(n, _K, s - 1, h, w)

# --- scband reference (transcript-rebuilt; emitter-appended) ---
"""Pipeline reference for scband-larange-26843545600036 (READ-ONLY COPY).

The authoritative reference and input builder live on the scoring server;
editing this copy changes nothing except your own understanding.
"""

import jax, jax.numpy as jnp
import numpy as np

TOP_K = 16
C = 192

def setup_inputs(seed: int = 0) -> dict:
    key = jax.random.key(seed)
    k1, k2, k3 = jax.random.split(key, 3)
    x = jax.random.normal(k1, (4, C, 9, 32, 32), dtype=jnp.float32)
    W1 = jax.random.normal(k2, (1, C), dtype=jnp.float32) * (1.0 / np.sqrt(C))
    b1 = jnp.zeros((1,), dtype=jnp.float32)
    W2 = jax.random.normal(k3, (1, C), dtype=jnp.float32) * (1.0 / np.sqrt(C))
    b2 = jnp.zeros((1,), dtype=jnp.float32)
    return {"x": x, "W1": W1, "b1": b1, "W2": W2, "b2": b2}

def reference(x, W1, b1, W2, b2):
    n, c, s, h, w = x.shape
    # slice adjacent frame pairs
    x0 = x[:, :, 0:s - 1, :, :]
    x1 = x[:, :, 1:s, :, :]
    # trans: (n,c,s-1,h,w) -> (n*(s-1), c, h, w)
    x0 = jnp.transpose(x0, (0, 2, 1, 3, 4)).reshape(-1, c, h, w)
    x1 = jnp.transpose(x1, (0, 2, 1, 3, 4)).reshape(-1, c, h, w)
    # 1x1 conv to 1 channel == channel-wise linear
    X0 = jnp.einsum('ncij,oc->noij', x0, W1) + b1[None, :, None, None]
    X1 = jnp.einsum('ncij,oc->noij', x1, W2) + b2[None, :, None, None]
    X0 = X0[:, 0]  # squeeze channel dim -> (ns, h, w)
    X1 = X1[:, 0]
    ns = X0.shape[0]
    hw = h * w
    X0 = X0.reshape(ns, hw, 1)
    X1 = X1.reshape(ns, 1, hw)
    attention = jax.nn.softmax(X0 * X1, axis=2)
    top_k_values = jax.lax.top_k(attention, TOP_K)[0]  # (ns, hw, k) -> take values
    top_k_values = top_k_values.reshape(ns, TOP_K, h, w)
    # trans_out: (ns, k, h, w) -> (n, k, s-1, h, w)
    out = top_k_values.reshape(n, s - 1, TOP_K, h, w)
    out = jnp.transpose(out, (0, 2, 1, 3, 4))
    return out

if __name__ == "__main__":
    import jax
    _d = setup_inputs()
    print(jax.jit(kernel)(*tuple(_d.values())))

</pallas_src>

<mosaic_0001>
#map = affine_map<(d0, d1) -> (0, 0)>
module attributes {stable_mosaic.version = 14 : i64} {
  func.func @_sc_body(%arg0: i32, %arg1: i32, %arg2: memref<32x1024xf32, #tpu.memory_space<hbm>>, %arg3: memref<32x1024xf32, #tpu.memory_space<hbm>>, %arg4: memref<32x1024xf32, #tpu.memory_space<hbm>>, %arg5: memref<512x1024xf32, #tpu.memory_space<hbm>>, %arg6: memref<1024xf32, #tpu.memory_space<vmem>>, %arg7: memref<1024xf32, #tpu.memory_space<vmem>>, %arg8: memref<1024xf32, #tpu.memory_space<vmem>>, %arg9: memref<1024xf32, #tpu.memory_space<vmem>>, %arg10: memref<1024xf32, #tpu.memory_space<vmem>>, %arg11: memref<16xf32, #tpu.memory_space<vmem>>, %arg12: memref<16xf32, #tpu.memory_space<vmem>>, %arg13: memref<16384xf32, #tpu.memory_space<vmem>>) attributes {dimension_semantics = [#tpu.dimension_semantics<core_parallel>, #tpu.dimension_semantics<subcore_parallel>], iteration_bounds = array<i64: 2, 16>, scalar_prefetch = 0 : i64, scratch_operands = 8 : i64, tpu.core_type = #tpu.core_type<sc_vector_subcore>, window_params = [{transform_indices = #map}, {transform_indices = #map}, {transform_indices = #map}, {transform_indices = #map}]} {
    %mul3A = arith.constant 2 : i32
    %mul3A_0 = arith.muli %arg1, %mul3A : i32
    %add3A = arith.addi %mul3A_0, %arg0 : i32
    %jit3A = arith.constant 8 : i32
    %div3A = arith.divsi %add3A, %jit3A : i32
    %sign3A = arith.constant 0 : i32
    %sign3A_1 = arith.cmpi sgt, %add3A, %sign3A : i32
    %sign3A_2 = arith.extui %sign3A_1 : i1 to i32
    %sign3A_3 = arith.constant 0 : i32
    %sign3A_4 = arith.cmpi slt, %add3A, %sign3A_3 : i32
    %sign3A_5 = arith.extui %sign3A_4 : i1 to i32
    %sign3A_6 = arith.subi %sign3A_2, %sign3A_5 : i32
    %sign3A_7 = arith.constant 0 : i32
    %sign3A_8 = arith.cmpi sgt, %jit3A, %sign3A_7 : i32
    %sign3A_9 = arith.extui %sign3A_8 : i1 to i32
    %sign3A_10 = arith.constant 0 : i32
    %sign3A_11 = arith.cmpi slt, %jit3A, %sign3A_10 : i32
    %sign3A_12 = arith.extui %sign3A_11 : i1 to i32
    %sign3A_13 = arith.subi %sign3A_9, %sign3A_12 : i32
    %ne3A = arith.cmpi ne, %sign3A_6, %sign3A_13 : i32
    %rem3A = arith.remsi %add3A, %jit3A : i32
    %ne3A_14 = arith.constant 0 : i32
    %ne3A_15 = arith.cmpi ne, %rem3A, %ne3A_14 : i32
    %and3A = arith.andi %ne3A, %ne3A_15 : i1
    %sub3A = arith.constant 1 : i32
    %sub3A_16 = arith.subi %div3A, %sub3A : i32
    %select_n3A = arith.select %and3A, %sub3A_16, %div3A : i32
    %jit3A_17 = arith.constant 8 : i32
    %eq3A = arith.constant 0 : i32
    %eq3A_18 = arith.cmpi eq, %jit3A_17, %eq3A : i32
    %jit3A_19 = arith.constant 1 : i32
    %select_n3A_20 = arith.select %eq3A_18, %jit3A_19, %jit3A_17 : i32
    %rem3A_21 = arith.remsi %add3A, %select_n3A_20 : i32
    %ne3A_22 = arith.constant 0 : i32
    %ne3A_23 = arith.cmpi ne, %rem3A_21, %ne3A_22 : i32
    %lt3A = arith.constant 0 : i32
    %lt3A_24 = arith.cmpi slt, %rem3A_21, %lt3A : i32
    %lt3A_25 = arith.constant 0 : i32
    %lt3A_26 = arith.cmpi slt, %select_n3A_20, %lt3A_25 : i32
    %ne3A_27 = arith.xori %lt3A_24, %lt3A_26 : i1
    %and3A_28 = arith.andi %ne3A_27, %ne3A_23 : i1
    %add3A_29 = arith.addi %rem3A_21, %select_n3A_20 : i32
    %select_n3A_30 = arith.select %and3A_28, %add3A_29, %rem3A_21 : i32
    "tpu.region"() ({
      %run_scoped3A = tpu.sem_alloc : memref<!tpu.dma_semaphore, #tpu.memory_space<semaphore_mem>>
      %dma_start3A = arith.constant 0 : i32
      %dma_start3A_231 = tpu.memref_slice %arg2[%add3A, %dma_start3A] : memref<32x1024xf32, #tpu.memory_space<hbm>> -> memref<1x1024xf32, #tpu.memory_space<hbm>>
      %dma_start3A_232 = tpu.memref_squeeze %dma_start3A_231 : memref<1x1024xf32, #tpu.memory_space<hbm>> -> memref<1024xf32, #tpu.memory_space<hbm>>
      %dma_start3A_233 = arith.constant 0 : i32
      %dma_start3A_234 = tpu.memref_slice %arg2[%add3A, %dma_start3A_233] : memref<32x1024xf32, #tpu.memory_space<hbm>> -> memref<1x1024xf32, #tpu.memory_space<hbm>>
      %dma_start3A_235 = tpu.memref_squeeze %dma_start3A_234 : memref<1x1024xf32, #tpu.memory_space<hbm>> -> memref<1024xf32, #tpu.memory_space<hbm>>
      tpu.enqueue_dma source(%dma_start3A_235 : memref<1024xf32, #tpu.memory_space<hbm>>) target(%arg6 : memref<1024xf32, #tpu.memory_space<vmem>>) target_semaphore(%run_scoped3A : memref<!tpu.dma_semaphore, #tpu.memory_space<semaphore_mem>>)
      %dma_wait3A = arith.constant 0 : i32
      %dma_wait3A_236 = tpu.memref_slice %arg2[%add3A, %dma_wait3A] : memref<32x1024xf32, #tpu.memory_space<hbm>> -> memref<1x1024xf32, #tpu.memory_space<hbm>>
      %dma_wait3A_237 = tpu.memref_squeeze %dma_wait3A_236 : memref<1x1024xf32, #tpu.memory_space<hbm>> -> memref<1024xf32, #tpu.memory_space<hbm>>
      %dma_wait3A_238 = arith.constant 0 : i32
      %dma_wait3A_239 = tpu.memref_slice %arg2[%add3A, %dma_wait3A_238] : memref<32x1024xf32, #tpu.memory_space<hbm>> -> memref<1x1024xf32, #tpu.memory_space<hbm>>
      %dma_wait3A_240 = tpu.memref_squeeze %dma_wait3A_239 : memref<1x1024xf32, #tpu.memory_space<hbm>> -> memref<1024xf32, #tpu.memory_space<hbm>>
      tpu.wait_dma2 semaphore(%run_scoped3A : memref<!tpu.dma_semaphore, #tpu.memory_space<semaphore_mem>>) src(%dma_wait3A_240 : memref<1024xf32, #tpu.memory_space<hbm>>) dst(%arg6 : memref<1024xf32, #tpu.memory_space<vmem>>)
      tpu.yield
    }) : () -> ()
    "tpu.region"() ({
      %run_scoped3A = tpu.sem_alloc : memref<!tpu.dma_semaphore, #tpu.memory_space<semaphore_mem>>
      %dma_start3A = arith.constant 0 : i32
      %dma_start3A_231 = tpu.memref_slice %arg3[%add3A, %dma_start3A] : memref<32x1024xf32, #tpu.memory_space<hbm>> -> memref<1x1024xf32, #tpu.memory_space<hbm>>
      %dma_start3A_232 = tpu.memref_squeeze %dma_start3A_231 : memref<1x1024xf32, #tpu.memory_space<hbm>> -> memref<1024xf32, #tpu.memory_space<hbm>>
      %dma_start3A_233 = arith.constant 0 : i32
      %dma_start3A_234 = tpu.memref_slice %arg3[%add3A, %dma_start3A_233] : memref<32x1024xf32, #tpu.memory_space<hbm>> -> memref<1x1024xf32, #tpu.memory_space<hbm>>
      %dma_start3A_235 = tpu.memref_squeeze %dma_start3A_234 : memref<1x1024xf32, #tpu.memory_space<hbm>> -> memref<1024xf32, #tpu.memory_space<hbm>>
      tpu.enqueue_dma source(%dma_start3A_235 : memref<1024xf32, #tpu.memory_space<hbm>>) target(%arg7 : memref<1024xf32, #tpu.memory_space<vmem>>) target_semaphore(%run_scoped3A : memref<!tpu.dma_semaphore, #tpu.memory_space<semaphore_mem>>)
      %dma_wait3A = arith.constant 0 : i32
      %dma_wait3A_236 = tpu.memref_slice %arg3[%add3A, %dma_wait3A] : memref<32x1024xf32, #tpu.memory_space<hbm>> -> memref<1x1024xf32, #tpu.memory_space<hbm>>
      %dma_wait3A_237 = tpu.memref_squeeze %dma_wait3A_236 : memref<1x1024xf32, #tpu.memory_space<hbm>> -> memref<1024xf32, #tpu.memory_space<hbm>>
      %dma_wait3A_238 = arith.constant 0 : i32
      %dma_wait3A_239 = tpu.memref_slice %arg3[%add3A, %dma_wait3A_238] : memref<32x1024xf32, #tpu.memory_space<hbm>> -> memref<1x1024xf32, #tpu.memory_space<hbm>>
      %dma_wait3A_240 = tpu.memref_squeeze %dma_wait3A_239 : memref<1x1024xf32, #tpu.memory_space<hbm>> -> memref<1024xf32, #tpu.memory_space<hbm>>
      tpu.wait_dma2 semaphore(%run_scoped3A : memref<!tpu.dma_semaphore, #tpu.memory_space<semaphore_mem>>) src(%dma_wait3A_240 : memref<1024xf32, #tpu.memory_space<hbm>>) dst(%arg7 : memref<1024xf32, #tpu.memory_space<vmem>>)
      tpu.yield
    }) : () -> ()
    "tpu.region"() ({
      %run_scoped3A = tpu.sem_alloc : memref<!tpu.dma_semaphore, #tpu.memory_space<semaphore_mem>>
      %dma_start3A = arith.constant 0 : i32
      %dma_start3A_231 = tpu.memref_slice %arg4[%add3A, %dma_start3A] : memref<32x1024xf32, #tpu.memory_space<hbm>> -> memref<1x1024xf32, #tpu.memory_space<hbm>>
      %dma_start3A_232 = tpu.memref_squeeze %dma_start3A_231 : memref<1x1024xf32, #tpu.memory_space<hbm>> -> memref<1024xf32, #tpu.memory_space<hbm>>
      %dma_start3A_233 = arith.constant 0 : i32
      %dma_start3A_234 = tpu.memref_slice %arg4[%add3A, %dma_start3A_233] : memref<32x1024xf32, #tpu.memory_space<hbm>> -> memref<1x1024xf32, #tpu.memory_space<hbm>>
      %dma_start3A_235 = tpu.memref_squeeze %dma_start3A_234 : memref<1x1024xf32, #tpu.memory_space<hbm>> -> memref<1024xf32, #tpu.memory_space<hbm>>
      tpu.enqueue_dma source(%dma_start3A_235 : memref<1024xf32, #tpu.memory_space<hbm>>) target(%arg8 : memref<1024xf32, #tpu.memory_space<vmem>>) target_semaphore(%run_scoped3A : memref<!tpu.dma_semaphore, #tpu.memory_space<semaphore_mem>>)
      %dma_wait3A = arith.constant 0 : i32
      %dma_wait3A_236 = tpu.memref_slice %arg4[%add3A, %dma_wait3A] : memref<32x1024xf32, #tpu.memory_space<hbm>> -> memref<1x1024xf32, #tpu.memory_space<hbm>>
      %dma_wait3A_237 = tpu.memref_squeeze %dma_wait3A_236 : memref<1x1024xf32, #tpu.memory_space<hbm>> -> memref<1024xf32, #tpu.memory_space<hbm>>
      %dma_wait3A_238 = arith.constant 0 : i32
      %dma_wait3A_239 = tpu.memref_slice %arg4[%add3A, %dma_wait3A_238] : memref<32x1024xf32, #tpu.memory_space<hbm>> -> memref<1x1024xf32, #tpu.memory_space<hbm>>
      %dma_wait3A_240 = tpu.memref_squeeze %dma_wait3A_239 : memref<1x1024xf32, #tpu.memory_space<hbm>> -> memref<1024xf32, #tpu.memory_space<hbm>>
      tpu.wait_dma2 semaphore(%run_scoped3A : memref<!tpu.dma_semaphore, #tpu.memory_space<semaphore_mem>>) src(%dma_wait3A_240 : memref<1024xf32, #tpu.memory_space<hbm>>) dst(%arg8 : memref<1024xf32, #tpu.memory_space<vmem>>)
      tpu.yield
    }) : () -> ()
    %broadcast_in_dim3A = arith.constant 0xFF800000 : f32
    %broadcast_in_dim3A_31 = vector.broadcast %broadcast_in_dim3A : f32 to vector<16xf32>
    %broadcast_in_dim3A_32 = arith.constant 0x7F800000 : f32
    %broadcast_in_dim3A_33 = vector.broadcast %broadcast_in_dim3A_32 : f32 to vector<16xf32>
    %scan3A = arith.constant 0 : i32
    %scan3A_34 = arith.constant 64 : i32
    %scan3A_35 = arith.addi %scan3A, %scan3A_34 : i32
    %scan3A_36 = arith.constant 1 : i32
    %scan3A_37:2 = scf.for %scan3A_231 = %scan3A to %scan3A_35 step %scan3A_36 iter_args(%scan3A_232 = %broadcast_in_dim3A_31, %scan3A_233 = %broadcast_in_dim3A_33) -> (vector<16xf32>, vector<16xf32>)  : i32 {
      %mul3A_234 = arith.constant 16 : i32
      %mul3A_235 = arith.muli %scan3A_231, %mul3A_234 : i32
      %get3A = arith.index_cast %mul3A_235 : i32 to index
      %get3A_236 = tpu.vector_load %arg7[%get3A] {strides = array<i32>} : memref<1024xf32, #tpu.memory_space<vmem>>, vector<16xf32>,
      %sort3A = arith.constant dense<true> : vector<16xi1>
      %sort3A_237, %sort3A_238, %sort3A_239 = tpu.sort %get3A_236, %get3A_236 masked %sort3A : (vector<16xf32>, vector<16xf32>, vector<16xi1>) -> (vector<16xi1>, vector<16xf32>, vector<16xf32>)
      %rev3A = arith.constant 15 : i32
      %rev3A_240 = vector.broadcast %rev3A : i32 to vector<16xi32>
      %rev3A_241 = tpu.iota {dimensions = array<i32: 0>} : vector<16xi32>
      %rev3A_242 = arith.subi %rev3A_240, %rev3A_241 : vector<16xi32>
      %rev3A_243 = tpu.dynamic_gather %sort3A_238[%rev3A_242] in [0] : vector<16xf32>, vector<16xi32> -> vector<16xf32>
      %max3A = arith.maximumf %scan3A_232, %sort3A_238 : vector<16xf32>
      %sort3A_244 = arith.constant dense<true> : vector<16xi1>
      %sort3A_245, %sort3A_246, %sort3A_247 = tpu.sort %max3A, %max3A masked %sort3A_244 : (vector<16xf32>, vector<16xf32>, vector<16xi1>) -> (vector<16xi1>, vector<16xf32>, vector<16xf32>)
      %rev3A_248 = arith.constant 15 : i32
      %rev3A_249 = vector.broadcast %rev3A_248 : i32 to vector<16xi32>
      %rev3A_250 = tpu.iota {dimensions = array<i32: 0>} : vector<16xi32>
      %rev3A_251 = arith.subi %rev3A_249, %rev3A_250 : vector<16xi32>
      %rev3A_252 = tpu.dynamic_gather %sort3A_246[%rev3A_251] in [0] : vector<16xf32>, vector<16xi32> -> vector<16xf32>
      %min3A = arith.minimumf %scan3A_233, %rev3A_243 : vector<16xf32>
      %sort3A_253 = arith.constant dense<true> : vector<16xi1>
      %sort3A_254, %sort3A_255, %sort3A_256 = tpu.sort %min3A, %min3A masked %sort3A_253 : (vector<16xf32>, vector<16xf32>, vector<16xi1>) -> (vector<16xi1>, vector<16xf32>, vector<16xf32>)
      scf.yield %rev3A_252, %sort3A_255 : vector<16xf32>, vector<16xf32>
    }
    %scan3A_38 = arith.constant 64 : i32
    %swap3A = arith.constant 0 : index
    %swap3A_39 = tpu.vector_load %arg11[%swap3A] {strides = array<i32>} : memref<16xf32, #tpu.memory_space<vmem>>, vector<16xf32>,
    tpu.vector_store %arg11[%swap3A], %scan3A_37#0 {strides = array<i32>} : memref<16xf32, #tpu.memory_space<vmem>>, vector<16xf32>,
    %swap3A_40 = arith.constant 0 : index
    %swap3A_41 = tpu.vector_load %arg12[%swap3A_40] {strides = array<i32>} : memref<16xf32, #tpu.memory_space<vmem>>, vector<16xf32>,
    tpu.vector_store %arg12[%swap3A_40], %scan3A_37#1 {strides = array<i32>} : memref<16xf32, #tpu.memory_space<vmem>>, vector<16xf32>,
    %reduce_max3A = arith.constant true
    %reduce_max3A_42 = vector.broadcast %reduce_max3A : i1 to vector<16xi1>
    %reduce_max3A_43 = tpu.scan <max>, %scan3A_37#0 masked %reduce_max3A_42 : vector<16xf32>, vector<16xi1> -> vector<16xf32>
    %reduce_max3A_44 = vector.extract %reduce_max3A_43[15] : f32 from vector<16xf32>
    %broadcast_in_dim3A_45 = vector.broadcast %reduce_max3A_44 : f32 to vector<16xf32>
    %reduce_min3A = arith.constant true
    %reduce_min3A_46 = vector.broadcast %reduce_min3A : i1 to vector<16xi1>
    %reduce_min3A_47 = tpu.scan <min>, %scan3A_37#1 masked %reduce_min3A_46 : vector<16xf32>, vector<16xi1> -> vector<16xf32>
    %reduce_min3A_48 = vector.extract %reduce_min3A_47[15] : f32 from vector<16xf32>
    %broadcast_in_dim3A_49 = vector.broadcast %reduce_min3A_48 : f32 to vector<16xf32>
    %scan3A_50 = arith.constant 0 : i32
    %scan3A_51 = arith.constant 0 : i32
    %scan3A_52 = arith.constant 64 : i32
    %scan3A_53 = arith.addi %scan3A_51, %scan3A_52 : i32
    %scan3A_54 = arith.constant 1 : i32
    scf.for %scan3A_231 = %scan3A_51 to %scan3A_53 step %scan3A_54  : i32 {
      %mul3A_232 = arith.constant 16 : i32
      %mul3A_233 = arith.muli %scan3A_231, %mul3A_232 : i32
      %get3A = arith.index_cast %mul3A_233 : i32 to index
      %get3A_234 = tpu.vector_load %arg6[%get3A] {strides = array<i32>} : memref<1024xf32, #tpu.memory_space<vmem>>, vector<16xf32>,
      %gt3A = arith.constant 0.000000e+00 : f32
      %gt3A_235 = vector.broadcast %gt3A : f32 to vector<16xf32>
      %gt3A_236 = arith.cmpf ogt, %get3A_234, %gt3A_235 : vector<16xf32>
      %mul3A_237 = arith.mulf %get3A_234, %broadcast_in_dim3A_45 : vector<16xf32>
      %mul3A_238 = arith.mulf %get3A_234, %broadcast_in_dim3A_49 : vector<16xf32>
      %select_n3A_239 = arith.select %gt3A_236, %mul3A_237, %mul3A_238 : vector<16xi1>, vector<16xf32>
      %mul3A_240 = arith.constant 16 : i32
      %mul3A_241 = arith.muli %scan3A_231, %mul3A_240 : i32
      %swap3A_242 = arith.index_cast %mul3A_241 : i32 to index
      %swap3A_243 = tpu.vector_load %arg9[%swap3A_242] {strides = array<i32>} : memref<1024xf32, #tpu.memory_space<vmem>>, vector<16xf32>,
      tpu.vector_store %arg9[%swap3A_242], %select_n3A_239 {strides = array<i32>} : memref<1024xf32, #tpu.memory_space<vmem>>, vector<16xf32>,
      %mul3A_244 = arith.constant 16 : i32
      %mul3A_245 = arith.muli %scan3A_231, %mul3A_244 : i32
      %get3A_246 = arith.index_cast %mul3A_245 : i32 to index
      %get3A_247 = tpu.vector_load %arg8[%get3A_246] {strides = array<i32>} : memref<1024xf32, #tpu.memory_space<vmem>>, vector<16xf32>,
      %div3A_248 = arith.constant 1.000000e+00 : f32
      %div3A_249 = vector.broadcast %div3A_248 : f32 to vector<16xf32>
      %div3A_250 = arith.divf %div3A_249, %get3A_247 : vector<16xf32>
      %mul3A_251 = arith.constant 16 : i32
      %mul3A_252 = arith.muli %scan3A_231, %mul3A_251 : i32
      %swap3A_253 = arith.index_cast %mul3A_252 : i32 to index
      %swap3A_254 = tpu.vector_load %arg10[%swap3A_253] {strides = array<i32>} : memref<1024xf32, #tpu.memory_space<vmem>>, vector<16xf32>,
      tpu.vector_store %arg10[%swap3A_253], %div3A_250 {strides = array<i32>} : memref<1024xf32, #tpu.memory_space<vmem>>, vector<16xf32>,
    }
    %scan3A_55 = arith.constant 64 : i32
    %broadcast_in_dim3A_56 = arith.constant 1 : i32
    %broadcast_in_dim3A_57 = vector.broadcast %broadcast_in_dim3A_56 : i32 to vector<16xi32>
    %gather3A = tpu.vector_load_idx %arg11[%broadcast_in_dim3A_57] : memref<16xf32, #tpu.memory_space<vmem>>[vector<16xi32>], vector<16xf32>,
    %broadcast_in_dim3A_58 = arith.constant 2 : i32
    %broadcast_in_dim3A_59 = vector.broadcast %broadcast_in_dim3A_58 : i32 to vector<16xi32>
    %gather3A_60 = tpu.vector_load_idx %arg11[%broadcast_in_dim3A_59] : memref<16xf32, #tpu.memory_space<vmem>>[vector<16xi32>], vector<16xf32>,
    %broadcast_in_dim3A_61 = arith.constant 3 : i32
    %broadcast_in_dim3A_62 = vector.broadcast %broadcast_in_dim3A_61 : i32 to vector<16xi32>
    %gather3A_63 = tpu.vector_load_idx %arg11[%broadcast_in_dim3A_62] : memref<16xf32, #tpu.memory_space<vmem>>[vector<16xi32>], vector<16xf32>,
    %broadcast_in_dim3A_64 = arith.constant 4 : i32
    %broadcast_in_dim3A_65 = vector.broadcast %broadcast_in_dim3A_64 : i32 to vector<16xi32>
    %gather3A_66 = tpu.vector_load_idx %arg11[%broadcast_in_dim3A_65] : memref<16xf32, #tpu.memory_space<vmem>>[vector<16xi32>], vector<16xf32>,
    %broadcast_in_dim3A_67 = arith.constant 5 : i32
    %broadcast_in_dim3A_68 = vector.broadcast %broadcast_in_dim3A_67 : i32 to vector<16xi32>
    %gather3A_69 = tpu.vector_load_idx %arg11[%broadcast_in_dim3A_68] : memref<16xf32, #tpu.memory_space<vmem>>[vector<16xi32>], vector<16xf32>,
    %broadcast_in_dim3A_70 = arith.constant 6 : i32
    %broadcast_in_dim3A_71 = vector.broadcast %broadcast_in_dim3A_70 : i32 to vector<16xi32>
    %gather3A_72 = tpu.vector_load_idx %arg11[%broadcast_in_dim3A_71] : memref<16xf32, #tpu.memory_space<vmem>>[vector<16xi32>], vector<16xf32>,
    %broadcast_in_dim3A_73 = arith.constant 7 : i32
    %broadcast_in_dim3A_74 = vector.broadcast %broadcast_in_dim3A_73 : i32 to vector<16xi32>
    %gather3A_75 = tpu.vector_load_idx %arg11[%broadcast_in_dim3A_74] : memref<16xf32, #tpu.memory_space<vmem>>[vector<16xi32>], vector<16xf32>,
    %broadcast_in_dim3A_76 = arith.constant 8 : i32
    %broadcast_in_dim3A_77 = vector.broadcast %broadcast_in_dim3A_76 : i32 to vector<16xi32>
    %gather3A_78 = tpu.vector_load_idx %arg11[%broadcast_in_dim3A_77] : memref<16xf32, #tpu.memory_space<vmem>>[vector<16xi32>], vector<16xf32>,
    %broadcast_in_dim3A_79 = arith.constant 9 : i32
    %broadcast_in_dim3A_80 = vector.broadcast %broadcast_in_dim3A_79 : i32 to vector<16xi32>
    %gather3A_81 = tpu.vector_load_idx %arg11[%broadcast_in_dim3A_80] : memref<16xf32, #tpu.memory_space<vmem>>[vector<16xi32>], vector<16xf32>,
    %broadcast_in_dim3A_82 = arith.constant 10 : i32
    %broadcast_in_dim3A_83 = vector.broadcast %broadcast_in_dim3A_82 : i32 to vector<16xi32>
    %gather3A_84 = tpu.vector_load_idx %arg11[%broadcast_in_dim3A_83] : memref<16xf32, #tpu.memory_space<vmem>>[vector<16xi32>], vector<16xf32>,
    %broadcast_in_dim3A_85 = arith.constant 11 : i32
    %broadcast_in_dim3A_86 = vector.broadcast %broadcast_in_dim3A_85 : i32 to vector<16xi32>
    %gather3A_87 = tpu.vector_load_idx %arg11[%broadcast_in_dim3A_86] : memref<16xf32, #tpu.memory_space<vmem>>[vector<16xi32>], vector<16xf32>,
    %broadcast_in_dim3A_88 = arith.constant 12 : i32
    %broadcast_in_dim3A_89 = vector.broadcast %broadcast_in_dim3A_88 : i32 to vector<16xi32>
    %gather3A_90 = tpu.vector_load_idx %arg11[%broadcast_in_dim3A_89] : memref<16xf32, #tpu.memory_space<vmem>>[vector<16xi32>], vector<16xf32>,
    %broadcast_in_dim3A_91 = arith.constant 13 : i32
    %broadcast_in_dim3A_92 = vector.broadcast %broadcast_in_dim3A_91 : i32 to vector<16xi32>
    %gather3A_93 = tpu.vector_load_idx %arg11[%broadcast_in_dim3A_92] : memref<16xf32, #tpu.memory_space<vmem>>[vector<16xi32>], vector<16xf32>,
    %broadcast_in_dim3A_94 = arith.constant 14 : i32
    %broadcast_in_dim3A_95 = vector.broadcast %broadcast_in_dim3A_94 : i32 to vector<16xi32>
    %gather3A_96 = tpu.vector_load_idx %arg11[%broadcast_in_dim3A_95] : memref<16xf32, #tpu.memory_space<vmem>>[vector<16xi32>], vector<16xf32>,
    %broadcast_in_dim3A_97 = arith.constant 15 : i32
    %broadcast_in_dim3A_98 = vector.broadcast %broadcast_in_dim3A_97 : i32 to vector<16xi32>
    %gather3A_99 = tpu.vector_load_idx %arg11[%broadcast_in_dim3A_98] : memref<16xf32, #tpu.memory_space<vmem>>[vector<16xi32>], vector<16xf32>,
    %broadcast_in_dim3A_100 = arith.constant 1 : i32
    %broadcast_in_dim3A_101 = vector.broadcast %broadcast_in_dim3A_100 : i32 to vector<16xi32>
    %gather3A_102 = tpu.vector_load_idx %arg12[%broadcast_in_dim3A_101] : memref<16xf32, #tpu.memory_space<vmem>>[vector<16xi32>], vector<16xf32>,
    %broadcast_in_dim3A_103 = arith.constant 2 : i32
    %broadcast_in_dim3A_104 = vector.broadcast %broadcast_in_dim3A_103 : i32 to vector<16xi32>
    %gather3A_105 = tpu.vector_load_idx %arg12[%broadcast_in_dim3A_104] : memref<16xf32, #tpu.memory_space<vmem>>[vector<16xi32>], vector<16xf32>,
    %broadcast_in_dim3A_106 = arith.constant 3 : i32
    %broadcast_in_dim3A_107 = vector.broadcast %broadcast_in_dim3A_106 : i32 to vector<16xi32>
    %gather3A_108 = tpu.vector_load_idx %arg12[%broadcast_in_dim3A_107] : memref<16xf32, #tpu.memory_space<vmem>>[vector<16xi32>], vector<16xf32>,
    %broadcast_in_dim3A_109 = arith.constant 4 : i32
    %broadcast_in_dim3A_110 = vector.broadcast %broadcast_in_dim3A_109 : i32 to vector<16xi32>
    %gather3A_111 = tpu.vector_load_idx %arg12[%broadcast_in_dim3A_110] : memref<16xf32, #tpu.memory_space<vmem>>[vector<16xi32>], vector<16xf32>,
    %broadcast_in_dim3A_112 = arith.constant 5 : i32
    %broadcast_in_dim3A_113 = vector.broadcast %broadcast_in_dim3A_112 : i32 to vector<16xi32>
    %gather3A_114 = tpu.vector_load_idx %arg12[%broadcast_in_dim3A_113] : memref<16xf32, #tpu.memory_space<vmem>>[vector<16xi32>], vector<16xf32>,
    %broadcast_in_dim3A_115 = arith.constant 6 : i32
    %broadcast_in_dim3A_116 = vector.broadcast %broadcast_in_dim3A_115 : i32 to vector<16xi32>
    %gather3A_117 = tpu.vector_load_idx %arg12[%broadcast_in_dim3A_116] : memref<16xf32, #tpu.memory_space<vmem>>[vector<16xi32>], vector<16xf32>,
    %broadcast_in_dim3A_118 = arith.constant 7 : i32
    %broadcast_in_dim3A_119 = vector.broadcast %broadcast_in_dim3A_118 : i32 to vector<16xi32>
    %gather3A_120 = tpu.vector_load_idx %arg12[%broadcast_in_dim3A_119] : memref<16xf32, #tpu.memory_space<vmem>>[vector<16xi32>], vector<16xf32>,
    %broadcast_in_dim3A_121 = arith.constant 8 : i32
    %broadcast_in_dim3A_122 = vector.broadcast %broadcast_in_dim3A_121 : i32 to vector<16xi32>
    %gather3A_123 = tpu.vector_load_idx %arg12[%broadcast_in_dim3A_122] : memref<16xf32, #tpu.memory_space<vmem>>[vector<16xi32>], vector<16xf32>,
    %broadcast_in_dim3A_124 = arith.constant 9 : i32
    %broadcast_in_dim3A_125 = vector.broadcast %broadcast_in_dim3A_124 : i32 to vector<16xi32>
    %gather3A_126 = tpu.vector_load_idx %arg12[%broadcast_in_dim3A_125] : memref<16xf32, #tpu.memory_space<vmem>>[vector<16xi32>], vector<16xf32>,
    %broadcast_in_dim3A_127 = arith.constant 10 : i32
    %broadcast_in_dim3A_128 = vector.broadcast %broadcast_in_dim3A_127 : i32 to vector<16xi32>
    %gather3A_129 = tpu.vector_load_idx %arg12[%broadcast_in_dim3A_128] : memref<16xf32, #tpu.memory_space<vmem>>[vector<16xi32>], vector<16xf32>,
    %broadcast_in_dim3A_130 = arith.constant 11 : i32
    %broadcast_in_dim3A_131 = vector.broadcast %broadcast_in_dim3A_130 : i32 to vector<16xi32>
    %gather3A_132 = tpu.vector_load_idx %arg12[%broadcast_in_dim3A_131] : memref<16xf32, #tpu.memory_space<vmem>>[vector<16xi32>], vector<16xf32>,
    %broadcast_in_dim3A_133 = arith.constant 12 : i32
    %broadcast_in_dim3A_134 = vector.broadcast %broadcast_in_dim3A_133 : i32 to vector<16xi32>
    %gather3A_135 = tpu.vector_load_idx %arg12[%broadcast_in_dim3A_134] : memref<16xf32, #tpu.memory_space<vmem>>[vector<16xi32>], vector<16xf32>,
    %broadcast_in_dim3A_136 = arith.constant 13 : i32
    %broadcast_in_dim3A_137 = vector.broadcast %broadcast_in_dim3A_136 : i32 to vector<16xi32>
    %gather3A_138 = tpu.vector_load_idx %arg12[%broadcast_in_dim3A_137] : memref<16xf32, #tpu.memory_space<vmem>>[vector<16xi32>], vector<16xf32>,
    %broadcast_in_dim3A_139 = arith.constant 14 : i32
    %broadcast_in_dim3A_140 = vector.broadcast %broadcast_in_dim3A_139 : i32 to vector<16xi32>
    %gather3A_141 = tpu.vector_load_idx %arg12[%broadcast_in_dim3A_140] : memref<16xf32, #tpu.memory_space<vmem>>[vector<16xi32>], vector<16xf32>,
    %broadcast_in_dim3A_142 = arith.constant 15 : i32
    %broadcast_in_dim3A_143 = vector.broadcast %broadcast_in_dim3A_142 : i32 to vector<16xi32>
    %gather3A_144 = tpu.vector_load_idx %arg12[%broadcast_in_dim3A_143] : memref<16xf32, #tpu.memory_space<vmem>>[vector<16xi32>], vector<16xf32>,
    %iota3A = tpu.iota {dimensions = array<i32: 0>} : vector<16xi32>
    %scan3A_145 = arith.constant 0 : i32
    %scan3A_146 = arith.constant 0 : i32
    %scan3A_147 = arith.constant 64 : i32
    %scan3A_148 = arith.addi %scan3A_146, %scan3A_147 : i32
    %scan3A_149 = arith.constant 1 : i32
    scf.for %scan3A_231 = %scan3A_146 to %scan3A_148 step %scan3A_149  : i32 {
      %mul3A_232 = arith.constant 16 : i32
      %mul3A_233 = arith.muli %scan3A_231, %mul3A_232 : i32
      %get3A = arith.index_cast %mul3A_233 : i32 to index
      %get3A_234 = tpu.vector_load %arg6[%get3A] {strides = array<i32>} : memref<1024xf32, #tpu.memory_space<vmem>>, vector<16xf32>,
      %mul3A_235 = arith.constant 16 : i32
      %mul3A_236 = arith.muli %scan3A_231, %mul3A_235 : i32
      %get3A_237 = arith.index_cast %mul3A_236 : i32 to index
      %get3A_238 = tpu.vector_load %arg9[%get3A_237] {strides = array<i32>} : memref<1024xf32, #tpu.memory_space<vmem>>, vector<16xf32>,
      %mul3A_239 = arith.constant 16 : i32
      %mul3A_240 = arith.muli %scan3A_231, %mul3A_239 : i32
      %get3A_241 = arith.index_cast %mul3A_240 : i32 to index
      %get3A_242 = tpu.vector_load %arg10[%get3A_241] {strides = array<i32>} : memref<1024xf32, #tpu.memory_space<vmem>>, vector<16xf32>,
      %gt3A = arith.constant 0.000000e+00 : f32
      %gt3A_243 = vector.broadcast %gt3A : f32 to vector<16xf32>
      %gt3A_244 = arith.cmpf ogt, %get3A_234, %gt3A_243 : vector<16xf32>
      %mul3A_245 = arith.constant 16 : i32
      %mul3A_246 = arith.muli %scan3A_231, %mul3A_245 : i32
      %add3A_247 = vector.broadcast %mul3A_246 : i32 to vector<16xi32>
      %add3A_248 = arith.addi %add3A_247, %iota3A : vector<16xi32>
      %mul3A_249 = arith.constant 16 : i32
      %mul3A_250 = vector.broadcast %mul3A_249 : i32 to vector<16xi32>
      %mul3A_251 = arith.muli %add3A_248, %mul3A_250 : vector<16xi32>
      %select_n3A_252 = arith.select %gt3A_244, %broadcast_in_dim3A_45, %broadcast_in_dim3A_49 : vector<16xi1>, vector<16xf32>
      %mul3A_253 = arith.mulf %get3A_234, %select_n3A_252 : vector<16xf32>
      %sub3A_254 = arith.subf %mul3A_253, %get3A_238 : vector<16xf32>
      %exp3A = math.exp %sub3A_254 : vector<16xf32>
      %mul3A_255 = arith.mulf %exp3A, %get3A_242 : vector<16xf32>
      %add3A_256 = arith.constant 0 : i32
      %add3A_257 = vector.broadcast %add3A_256 : i32 to vector<16xi32>
      %add3A_258 = arith.addi %mul3A_251, %add3A_257 : vector<16xi32>
      tpu.vector_store_idx %arg13[%add3A_258], %mul3A_255 : memref<16384xf32, #tpu.memory_space<vmem>>[vector<16xi32>], vector<16xf32>,
      %select_n3A_259 = arith.select %gt3A_244, %gather3A, %gather3A_102 : vector<16xi1>, vector<16xf32>
      %mul3A_260 = arith.mulf %get3A_234, %select_n3A_259 : vector<16xf32>
      %sub3A_261 = arith.subf %mul3A_260, %get3A_238 : vector<16xf32>
      %exp3A_262 = math.exp %sub3A_261 : vector<16xf32>
      %mul3A_263 = arith.mulf %exp3A_262, %get3A_242 : vector<16xf32>
      %add3A_264 = arith.constant 1 : i32
      %add3A_265 = vector.broadcast %add3A_264 : i32 to vector<16xi32>
      %add3A_266 = arith.addi %mul3A_251, %add3A_265 : vector<16xi32>
      tpu.vector_store_idx %arg13[%add3A_266], %mul3A_263 : memref<16384xf32, #tpu.memory_space<vmem>>[vector<16xi32>], vector<16xf32>,
      %select_n3A_267 = arith.select %gt3A_244, %gather3A_60, %gather3A_105 : vector<16xi1>, vector<16xf32>
      %mul3A_268 = arith.mulf %get3A_234, %select_n3A_267 : vector<16xf32>
      %sub3A_269 = arith.subf %mul3A_268, %get3A_238 : vector<16xf32>
      %exp3A_270 = math.exp %sub3A_269 : vector<16xf32>
      %mul3A_271 = arith.mulf %exp3A_270, %get3A_242 : vector<16xf32>
      %add3A_272 = arith.constant 2 : i32
      %add3A_273 = vector.broadcast %add3A_272 : i32 to vector<16xi32>
      %add3A_274 = arith.addi %mul3A_251, %add3A_273 : vector<16xi32>
      tpu.vector_store_idx %arg13[%add3A_274], %mul3A_271 : memref<16384xf32, #tpu.memory_space<vmem>>[vector<16xi32>], vector<16xf32>,
      %select_n3A_275 = arith.select %gt3A_244, %gather3A_63, %gather3A_108 : vector<16xi1>, vector<16xf32>
      %mul3A_276 = arith.mulf %get3A_234, %select_n3A_275 : vector<16xf32>
      %sub3A_277 = arith.subf %mul3A_276, %get3A_238 : vector<16xf32>
      %exp3A_278 = math.exp %sub3A_277 : vector<16xf32>
      %mul3A_279 = arith.mulf %exp3A_278, %get3A_242 : vector<16xf32>
      %add3A_280 = arith.constant 3 : i32
      %add3A_281 = vector.broadcast %add3A_280 : i32 to vector<16xi32>
      %add3A_282 = arith.addi %mul3A_251, %add3A_281 : vector<16xi32>
      tpu.vector_store_idx %arg13[%add3A_282], %mul3A_279 : memref<16384xf32, #tpu.memory_space<vmem>>[vector<16xi32>], vector<16xf32>,
      %select_n3A_283 = arith.select %gt3A_244, %gather3A_66, %gather3A_111 : vector<16xi1>, vector<16xf32>
      %mul3A_284 = arith.mulf %get3A_234, %select_n3A_283 : vector<16xf32>
      %sub3A_285 = arith.subf %mul3A_284, %get3A_238 : vector<16xf32>
      %exp3A_286 = math.exp %sub3A_285 : vector<16xf32>
      %mul3A_287 = arith.mulf %exp3A_286, %get3A_242 : vector<16xf32>
      %add3A_288 = arith.constant 4 : i32
      %add3A_289 = vector.broadcast %add3A_288 : i32 to vector<16xi32>
      %add3A_290 = arith.addi %mul3A_251, %add3A_289 : vector<16xi32>
      tpu.vector_store_idx %arg13[%add3A_290], %mul3A_287 : memref<16384xf32, #tpu.memory_space<vmem>>[vector<16xi32>], vector<16xf32>,
      %select_n3A_291 = arith.select %gt3A_244, %gather3A_69, %gather3A_114 : vector<16xi1>, vector<16xf32>
      %mul3A_292 = arith.mulf %get3A_234, %select_n3A_291 : vector<16xf32>
      %sub3A_293 = arith.subf %mul3A_292, %get3A_238 : vector<16xf32>
      %exp3A_294 = math.exp %sub3A_293 : vector<16xf32>
      %mul3A_295 = arith.mulf %exp3A_294, %get3A_242 : vector<16xf32>
      %add3A_296 = arith.constant 5 : i32
      %add3A_297 = vector.broadcast %add3A_296 : i32 to vector<16xi32>
      %add3A_298 = arith.addi %mul3A_251, %add3A_297 : vector<16xi32>
      tpu.vector_store_idx %arg13[%add3A_298], %mul3A_295 : memref<16384xf32, #tpu.memory_space<vmem>>[vector<16xi32>], vector<16xf32>,
      %select_n3A_299 = arith.select %gt3A_244, %gather3A_72, %gather3A_117 : vector<16xi1>, vector<16xf32>
      %mul3A_300 = arith.mulf %get3A_234, %select_n3A_299 : vector<16xf32>
      %sub3A_301 = arith.subf %mul3A_300, %get3A_238 : vector<16xf32>
      %exp3A_302 = math.exp %sub3A_301 : vector<16xf32>
      %mul3A_303 = arith.mulf %exp3A_302, %get3A_242 : vector<16xf32>
      %add3A_304 = arith.constant 6 : i32
      %add3A_305 = vector.broadcast %add3A_304 : i32 to vector<16xi32>
      %add3A_306 = arith.addi %mul3A_251, %add3A_305 : vector<16xi32>
      tpu.vector_store_idx %arg13[%add3A_306], %mul3A_303 : memref<16384xf32, #tpu.memory_space<vmem>>[vector<16xi32>], vector<16xf32>,
      %select_n3A_307 = arith.select %gt3A_244, %gather3A_75, %gather3A_120 : vector<16xi1>, vector<16xf32>
      %mul3A_308 = arith.mulf %get3A_234, %select_n3A_307 : vector<16xf32>
      %sub3A_309 = arith.subf %mul3A_308, %get3A_238 : vector<16xf32>
      %exp3A_310 = math.exp %sub3A_309 : vector<16xf32>
      %mul3A_311 = arith.mulf %exp3A_310, %get3A_242 : vector<16xf32>
      %add3A_312 = arith.constant 7 : i32
      %add3A_313 = vector.broadcast %add3A_312 : i32 to vector<16xi32>
      %add3A_314 = arith.addi %mul3A_251, %add3A_313 : vector<16xi32>
      tpu.vector_store_idx %arg13[%add3A_314], %mul3A_311 : memref<16384xf32, #tpu.memory_space<vmem>>[vector<16xi32>], vector<16xf32>,
      %select_n3A_315 = arith.select %gt3A_244, %gather3A_78, %gather3A_123 : vector<16xi1>, vector<16xf32>
      %mul3A_316 = arith.mulf %get3A_234, %select_n3A_315 : vector<16xf32>
      %sub3A_317 = arith.subf %mul3A_316, %get3A_238 : vector<16xf32>
      %exp3A_318 = math.exp %sub3A_317 : vector<16xf32>
      %mul3A_319 = arith.mulf %exp3A_318, %get3A_242 : vector<16xf32>
      %add3A_320 = arith.constant 8 : i32
      %add3A_321 = vector.broadcast %add3A_320 : i32 to vector<16xi32>
      %add3A_322 = arith.addi %mul3A_251, %add3A_321 : vector<16xi32>
      tpu.vector_store_idx %arg13[%add3A_322], %mul3A_319 : memref<16384xf32, #tpu.memory_space<vmem>>[vector<16xi32>], vector<16xf32>,
      %select_n3A_323 = arith.select %gt3A_244, %gather3A_81, %gather3A_126 : vector<16xi1>, vector<16xf32>
      %mul3A_324 = arith.mulf %get3A_234, %select_n3A_323 : vector<16xf32>
      %sub3A_325 = arith.subf %mul3A_324, %get3A_238 : vector<16xf32>
      %exp3A_326 = math.exp %sub3A_325 : vector<16xf32>
      %mul3A_327 = arith.mulf %exp3A_326, %get3A_242 : vector<16xf32>
      %add3A_328 = arith.constant 9 : i32
      %add3A_329 = vector.broadcast %add3A_328 : i32 to vector<16xi32>
      %add3A_330 = arith.addi %mul3A_251, %add3A_329 : vector<16xi32>
      tpu.vector_store_idx %arg13[%add3A_330], %mul3A_327 : memref<16384xf32, #tpu.memory_space<vmem>>[vector<16xi32>], vector<16xf32>,
      %select_n3A_331 = arith.select %gt3A_244, %gather3A_84, %gather3A_129 : vector<16xi1>, vector<16xf32>
      %mul3A_332 = arith.mulf %get3A_234, %select_n3A_331 : vector<16xf32>
      %sub3A_333 = arith.subf %mul3A_332, %get3A_238 : vector<16xf32>
      %exp3A_334 = math.exp %sub3A_333 : vector<16xf32>
      %mul3A_335 = arith.mulf %exp3A_334, %get3A_242 : vector<16xf32>
      %add3A_336 = arith.constant 10 : i32
      %add3A_337 = vector.broadcast %add3A_336 : i32 to vector<16xi32>
      %add3A_338 = arith.addi %mul3A_251, %add3A_337 : vector<16xi32>
      tpu.vector_store_idx %arg13[%add3A_338], %mul3A_335 : memref<16384xf32, #tpu.memory_space<vmem>>[vector<16xi32>], vector<16xf32>,
      %select_n3A_339 = arith.select %gt3A_244, %gather3A_87, %gather3A_132 : vector<16xi1>, vector<16xf32>
      %mul3A_340 = arith.mulf %get3A_234, %select_n3A_339 : vector<16xf32>
      %sub3A_341 = arith.subf %mul3A_340, %get3A_238 : vector<16xf32>
      %exp3A_342 = math.exp %sub3A_341 : vector<16xf32>
      %mul3A_343 = arith.mulf %exp3A_342, %get3A_242 : vector<16xf32>
      %add3A_344 = arith.constant 11 : i32
      %add3A_345 = vector.broadcast %add3A_344 : i32 to vector<16xi32>
      %add3A_346 = arith.addi %mul3A_251, %add3A_345 : vector<16xi32>
      tpu.vector_store_idx %arg13[%add3A_346], %mul3A_343 : memref<16384xf32, #tpu.memory_space<vmem>>[vector<16xi32>], vector<16xf32>,
      %select_n3A_347 = arith.select %gt3A_244, %gather3A_90, %gather3A_135 : vector<16xi1>, vector<16xf32>
      %mul3A_348 = arith.mulf %get3A_234, %select_n3A_347 : vector<16xf32>
      %sub3A_349 = arith.subf %mul3A_348, %get3A_238 : vector<16xf32>
      %exp3A_350 = math.exp %sub3A_349 : vector<16xf32>
      %mul3A_351 = arith.mulf %exp3A_350, %get3A_242 : vector<16xf32>
      %add3A_352 = arith.constant 12 : i32
      %add3A_353 = vector.broadcast %add3A_352 : i32 to vector<16xi32>
      %add3A_354 = arith.addi %mul3A_251, %add3A_353 : vector<16xi32>
      tpu.vector_store_idx %arg13[%add3A_354], %mul3A_351 : memref<16384xf32, #tpu.memory_space<vmem>>[vector<16xi32>], vector<16xf32>,
      %select_n3A_355 = arith.select %gt3A_244, %gather3A_93, %gather3A_138 : vector<16xi1>, vector<16xf32>
      %mul3A_356 = arith.mulf %get3A_234, %select_n3A_355 : vector<16xf32>
      %sub3A_357 = arith.subf %mul3A_356, %get3A_238 : vector<16xf32>
      %exp3A_358 = math.exp %sub3A_357 : vector<16xf32>
      %mul3A_359 = arith.mulf %exp3A_358, %get3A_242 : vector<16xf32>
      %add3A_360 = arith.constant 13 : i32
      %add3A_361 = vector.broadcast %add3A_360 : i32 to vector<16xi32>
      %add3A_362 = arith.addi %mul3A_251, %add3A_361 : vector<16xi32>
      tpu.vector_store_idx %arg13[%add3A_362], %mul3A_359 : memref<16384xf32, #tpu.memory_space<vmem>>[vector<16xi32>], vector<16xf32>,
      %select_n3A_363 = arith.select %gt3A_244, %gather3A_96, %gather3A_141 : vector<16xi1>, vector<16xf32>
      %mul3A_364 = arith.mulf %get3A_234, %select_n3A_363 : vector<16xf32>
      %sub3A_365 = arith.subf %mul3A_364, %get3A_238 : vector<16xf32>
      %exp3A_366 = math.exp %sub3A_365 : vector<16xf32>
      %mul3A_367 = arith.mulf %exp3A_366, %get3A_242 : vector<16xf32>
      %add3A_368 = arith.constant 14 : i32
      %add3A_369 = vector.broadcast %add3A_368 : i32 to vector<16xi32>
      %add3A_370 = arith.addi %mul3A_251, %add3A_369 : vector<16xi32>
      tpu.vector_store_idx %arg13[%add3A_370], %mul3A_367 : memref<16384xf32, #tpu.memory_space<vmem>>[vector<16xi32>], vector<16xf32>,
      %select_n3A_371 = arith.select %gt3A_244, %gather3A_99, %gather3A_144 : vector<16xi1>, vector<16xf32>
      %mul3A_372 = arith.mulf %get3A_234, %select_n3A_371 : vector<16xf32>
      %sub3A_373 = arith.subf %mul3A_372, %get3A_238 : vector<16xf32>
      %exp3A_374 = math.exp %sub3A_373 : vector<16xf32>
      %mul3A_375 = arith.mulf %exp3A_374, %get3A_242 : vector<16xf32>
      %add3A_376 = arith.constant 15 : i32
      %add3A_377 = vector.broadcast %add3A_376 : i32 to vector<16xi32>
      %add3A_378 = arith.addi %mul3A_251, %add3A_377 : vector<16xi32>
      tpu.vector_store_idx %arg13[%add3A_378], %mul3A_375 : memref<16384xf32, #tpu.memory_space<vmem>>[vector<16xi32>], vector<16xf32>,
    }
    %scan3A_150 = arith.constant 64 : i32
    %mul3A_151 = arith.constant 128 : i32
    %mul3A_152 = arith.muli %select_n3A, %mul3A_151 : i32
    %add3A_153 = arith.constant 0 : i32
    %add3A_154 = arith.addi %mul3A_152, %add3A_153 : i32
    %add3A_155 = arith.addi %add3A_154, %select_n3A_30 : i32
    "tpu.region"() ({
      %run_scoped3A = tpu.sem_alloc : memref<!tpu.dma_semaphore, #tpu.memory_space<semaphore_mem>>
      %dma_start3A = arith.constant 0 : i32
      %dma_start3A_231 = tpu.memref_slice %arg13[%dma_start3A] : memref<16384xf32, #tpu.memory_space<vmem>> -> memref<1024xf32, #tpu.memory_space<vmem>>
      %dma_start3A_232 = arith.constant 0 : i32
      %dma_start3A_233 = tpu.memref_slice %arg5[%add3A_155, %dma_start3A_232] : memref<512x1024xf32, #tpu.memory_space<hbm>> -> memref<1x1024xf32, #tpu.memory_space<hbm>>
      %dma_start3A_234 = tpu.memref_squeeze %dma_start3A_233 : memref<1x1024xf32, #tpu.memory_space<hbm>> -> memref<1024xf32, #tpu.memory_space<hbm>>
      %dma_start3A_235 = arith.constant 0 : i32
      %dma_start3A_236 = tpu.memref_slice %arg5[%add3A_155, %dma_start3A_235] : memref<512x1024xf32, #tpu.memory_space<hbm>> -> memref<1x1024xf32, #tpu.memory_space<hbm>>
      %dma_start3A_237 = tpu.memref_squeeze %dma_start3A_236 : memref<1x1024xf32, #tpu.memory_space<hbm>> -> memref<1024xf32, #tpu.memory_space<hbm>>
      %dma_start3A_238 = arith.constant 0 : i32
      %dma_start3A_239 = tpu.memref_slice %arg13[%dma_start3A_238] : memref<16384xf32, #tpu.memory_space<vmem>> -> memref<1024xf32, #tpu.memory_space<vmem>>
      tpu.enqueue_dma source(%dma_start3A_239 : memref<1024xf32, #tpu.memory_space<vmem>>) target(%dma_start3A_237 : memref<1024xf32, #tpu.memory_space<hbm>>) target_semaphore(%run_scoped3A : memref<!tpu.dma_semaphore, #tpu.memory_space<semaphore_mem>>)
      %dma_wait3A = arith.constant 0 : i32
      %dma_wait3A_240 = tpu.memref_slice %arg13[%dma_wait3A] : memref<16384xf32, #tpu.memory_space<vmem>> -> memref<1024xf32, #tpu.memory_space<vmem>>
      %dma_wait3A_241 = arith.constant 0 : i32
      %dma_wait3A_242 = tpu.memref_slice %arg5[%add3A_155, %dma_wait3A_241] : memref<512x1024xf32, #tpu.memory_space<hbm>> -> memref<1x1024xf32, #tpu.memory_space<hbm>>
      %dma_wait3A_243 = tpu.memref_squeeze %dma_wait3A_242 : memref<1x1024xf32, #tpu.memory_space<hbm>> -> memref<1024xf32, #tpu.memory_space<hbm>>
      %dma_wait3A_244 = arith.constant 0 : i32
      %dma_wait3A_245 = tpu.memref_slice %arg5[%add3A_155, %dma_wait3A_244] : memref<512x1024xf32, #tpu.memory_space<hbm>> -> memref<1x1024xf32, #tpu.memory_space<hbm>>
      %dma_wait3A_246 = tpu.memref_squeeze %dma_wait3A_245 : memref<1x1024xf32, #tpu.memory_space<hbm>> -> memref<1024xf32, #tpu.memory_space<hbm>>
      %dma_wait3A_247 = arith.constant 0 : i32
      %dma_wait3A_248 = tpu.memref_slice %arg13[%dma_wait3A_247] : memref<16384xf32, #tpu.memory_space<vmem>> -> memref<1024xf32, #tpu.memory_space<vmem>>
      tpu.wait_dma2 semaphore(%run_scoped3A : memref<!tpu.dma_semaphore, #tpu.memory_space<semaphore_mem>>) src(%dma_wait3A_248 : memref<1024xf32, #tpu.memory_space<vmem>>) dst(%dma_wait3A_246 : memref<1024xf32, #tpu.memory_space<hbm>>)
      tpu.yield
    }) : () -> ()
    %mul3A_156 = arith.constant 128 : i32
    %mul3A_157 = arith.muli %select_n3A, %mul3A_156 : i32
    %add3A_158 = arith.constant 8 : i32
    %add3A_159 = arith.addi %mul3A_157, %add3A_158 : i32
    %add3A_160 = arith.addi %add3A_159, %select_n3A_30 : i32
    "tpu.region"() ({
      %run_scoped3A = tpu.sem_alloc : memref<!tpu.dma_semaphore, #tpu.memory_space<semaphore_mem>>
      %dma_start3A = arith.constant 1024 : i32
      %dma_start3A_231 = tpu.memref_slice %arg13[%dma_start3A] : memref<16384xf32, #tpu.memory_space<vmem>> -> memref<1024xf32, #tpu.memory_space<vmem>>
      %dma_start3A_232 = arith.constant 0 : i32
      %dma_start3A_233 = tpu.memref_slice %arg5[%add3A_160, %dma_start3A_232] : memref<512x1024xf32, #tpu.memory_space<hbm>> -> memref<1x1024xf32, #tpu.memory_space<hbm>>
      %dma_start3A_234 = tpu.memref_squeeze %dma_start3A_233 : memref<1x1024xf32, #tpu.memory_space<hbm>> -> memref<1024xf32, #tpu.memory_space<hbm>>
      %dma_start3A_235 = arith.constant 0 : i32
      %dma_start3A_236 = tpu.memref_slice %arg5[%add3A_160, %dma_start3A_235] : memref<512x1024xf32, #tpu.memory_space<hbm>> -> memref<1x1024xf32, #tpu.memory_space<hbm>>
      %dma_start3A_237 = tpu.memref_squeeze %dma_start3A_236 : memref<1x1024xf32, #tpu.memory_space<hbm>> -> memref<1024xf32, #tpu.memory_space<hbm>>
      %dma_start3A_238 = arith.constant 1024 : i32
      %dma_start3A_239 = tpu.memref_slice %arg13[%dma_start3A_238] : memref<16384xf32, #tpu.memory_space<vmem>> -> memref<1024xf32, #tpu.memory_space<vmem>>
      tpu.enqueue_dma source(%dma_start3A_239 : memref<1024xf32, #tpu.memory_space<vmem>>) target(%dma_start3A_237 : memref<1024xf32, #tpu.memory_space<hbm>>) target_semaphore(%run_scoped3A : memref<!tpu.dma_semaphore, #tpu.memory_space<semaphore_mem>>)
      %dma_wait3A = arith.constant 1024 : i32
      %dma_wait3A_240 = tpu.memref_slice %arg13[%dma_wait3A] : memref<16384xf32, #tpu.memory_space<vmem>> -> memref<1024xf32, #tpu.memory_space<vmem>>
      %dma_wait3A_241 = arith.constant 0 : i32
      %dma_wait3A_242 = tpu.memref_slice %arg5[%add3A_160, %dma_wait3A_241] : memref<512x1024xf32, #tpu.memory_space<hbm>> -> memref<1x1024xf32, #tpu.memory_space<hbm>>
      %dma_wait3A_243 = tpu.memref_squeeze %dma_wait3A_242 : memref<1x1024xf32, #tpu.memory_space<hbm>> -> memref<1024xf32, #tpu.memory_space<hbm>>
      %dma_wait3A_244 = arith.constant 0 : i32
      %dma_wait3A_245 = tpu.memref_slice %arg5[%add3A_160, %dma_wait3A_244] : memref<512x1024xf32, #tpu.memory_space<hbm>> -> memref<1x1024xf32, #tpu.memory_space<hbm>>
      %dma_wait3A_246 = tpu.memref_squeeze %dma_wait3A_245 : memref<1x1024xf32, #tpu.memory_space<hbm>> -> memref<1024xf32, #tpu.memory_space<hbm>>
      %dma_wait3A_247 = arith.constant 1024 : i32
      %dma_wait3A_248 = tpu.memref_slice %arg13[%dma_wait3A_247] : memref<16384xf32, #tpu.memory_space<vmem>> -> memref<1024xf32, #tpu.memory_space<vmem>>
      tpu.wait_dma2 semaphore(%run_scoped3A : memref<!tpu.dma_semaphore, #tpu.memory_space<semaphore_mem>>) src(%dma_wait3A_248 : memref<1024xf32, #tpu.memory_space<vmem>>) dst(%dma_wait3A_246 : memref<1024xf32, #tpu.memory_space<hbm>>)
      tpu.yield
    }) : () -> ()
    %mul3A_161 = arith.constant 128 : i32
    %mul3A_162 = arith.muli %select_n3A, %mul3A_161 : i32
    %add3A_163 = arith.constant 16 : i32
    %add3A_164 = arith.addi %mul3A_162, %add3A_163 : i32
    %add3A_165 = arith.addi %add3A_164, %select_n3A_30 : i32
    "tpu.region"() ({
      %run_scoped3A = tpu.sem_alloc : memref<!tpu.dma_semaphore, #tpu.memory_space<semaphore_mem>>
      %dma_start3A = arith.constant 2048 : i32
      %dma_start3A_231 = tpu.memref_slice %arg13[%dma_start3A] : memref<16384xf32, #tpu.memory_space<vmem>> -> memref<1024xf32, #tpu.memory_space<vmem>>
      %dma_start3A_232 = arith.constant 0 : i32
      %dma_start3A_233 = tpu.memref_slice %arg5[%add3A_165, %dma_start3A_232] : memref<512x1024xf32, #tpu.memory_space<hbm>> -> memref<1x1024xf32, #tpu.memory_space<hbm>>
      %dma_start3A_234 = tpu.memref_squeeze %dma_start3A_233 : memref<1x1024xf32, #tpu.memory_space<hbm>> -> memref<1024xf32, #tpu.memory_space<hbm>>
      %dma_start3A_235 = arith.constant 0 : i32
      %dma_start3A_236 = tpu.memref_slice %arg5[%add3A_165, %dma_start3A_235] : memref<512x1024xf32, #tpu.memory_space<hbm>> -> memref<1x1024xf32, #tpu.memory_space<hbm>>
      %dma_start3A_237 = tpu.memref_squeeze %dma_start3A_236 : memref<1x1024xf32, #tpu.memory_space<hbm>> -> memref<1024xf32, #tpu.memory_space<hbm>>
      %dma_start3A_238 = arith.constant 2048 : i32
      %dma_start3A_239 = tpu.memref_slice %arg13[%dma_start3A_238] : memref<16384xf32, #tpu.memory_space<vmem>> -> memref<1024xf32, #tpu.memory_space<vmem>>
      tpu.enqueue_dma source(%dma_start3A_239 : memref<1024xf32, #tpu.memory_space<vmem>>) target(%dma_start3A_237 : memref<1024xf32, #tpu.memory_space<hbm>>) target_semaphore(%run_scoped3A : memref<!tpu.dma_semaphore, #tpu.memory_space<semaphore_mem>>)
      %dma_wait3A = arith.constant 2048 : i32
      %dma_wait3A_240 = tpu.memref_slice %arg13[%dma_wait3A] : memref<16384xf32, #tpu.memory_space<vmem>> -> memref<1024xf32, #tpu.memory_space<vmem>>
      %dma_wait3A_241 = arith.constant 0 : i32
      %dma_wait3A_242 = tpu.memref_slice %arg5[%add3A_165, %dma_wait3A_241] : memref<512x1024xf32, #tpu.memory_space<hbm>> -> memref<1x1024xf32, #tpu.memory_space<hbm>>
      %dma_wait3A_243 = tpu.memref_squeeze %dma_wait3A_242 : memref<1x1024xf32, #tpu.memory_space<hbm>> -> memref<1024xf32, #tpu.memory_space<hbm>>
      %dma_wait3A_244 = arith.constant 0 : i32
      %dma_wait3A_245 = tpu.memref_slice %arg5[%add3A_165, %dma_wait3A_244] : memref<512x1024xf32, #tpu.memory_space<hbm>> -> memref<1x1024xf32, #tpu.memory_space<hbm>>
      %dma_wait3A_246 = tpu.memref_squeeze %dma_wait3A_245 : memref<1x1024xf32, #tpu.memory_space<hbm>> -> memref<1024xf32, #tpu.memory_space<hbm>>
      %dma_wait3A_247 = arith.constant 2048 : i32
      %dma_wait3A_248 = tpu.memref_slice %arg13[%dma_wait3A_247] : memref<16384xf32, #tpu.memory_space<vmem>> -> memref<1024xf32, #tpu.memory_space<vmem>>
      tpu.wait_dma2 semaphore(%run_scoped3A : memref<!tpu.dma_semaphore, #tpu.memory_space<semaphore_mem>>) src(%dma_wait3A_248 : memref<1024xf32, #tpu.memory_space<vmem>>) dst(%dma_wait3A_246 : memref<1024xf32, #tpu.memory_space<hbm>>)
      tpu.yield
    }) : () -> ()
    %mul3A_166 = arith.constant 128 : i32
    %mul3A_167 = arith.muli %select_n3A, %mul3A_166 : i32
    %add3A_168 = arith.constant 24 : i32
    %add3A_169 = arith.addi %mul3A_167, %add3A_168 : i32
    %add3A_170 = arith.addi %add3A_169, %select_n3A_30 : i32
    "tpu.region"() ({
      %run_scoped3A = tpu.sem_alloc : memref<!tpu.dma_semaphore, #tpu.memory_space<semaphore_mem>>
      %dma_start3A = arith.constant 3072 : i32
      %dma_start3A_231 = tpu.memref_slice %arg13[%dma_start3A] : memref<16384xf32, #tpu.memory_space<vmem>> -> memref<1024xf32, #tpu.memory_space<vmem>>
      %dma_start3A_232 = arith.constant 0 : i32
      %dma_start3A_233 = tpu.memref_slice %arg5[%add3A_170, %dma_start3A_232] : memref<512x1024xf32, #tpu.memory_space<hbm>> -> memref<1x1024xf32, #tpu.memory_space<hbm>>
      %dma_start3A_234 = tpu.memref_squeeze %dma_start3A_233 : memref<1x1024xf32, #tpu.memory_space<hbm>> -> memref<1024xf32, #tpu.memory_space<hbm>>
      %dma_start3A_235 = arith.constant 0 : i32
      %dma_start3A_236 = tpu.memref_slice %arg5[%add3A_170, %dma_start3A_235] : memref<512x1024xf32, #tpu.memory_space<hbm>> -> memref<1x1024xf32, #tpu.memory_space<hbm>>
      %dma_start3A_237 = tpu.memref_squeeze %dma_start3A_236 : memref<1x1024xf32, #tpu.memory_space<hbm>> -> memref<1024xf32, #tpu.memory_space<hbm>>
      %dma_start3A_238 = arith.constant 3072 : i32
      %dma_start3A_239 = tpu.memref_slice %arg13[%dma_start3A_238] : memref<16384xf32, #tpu.memory_space<vmem>> -> memref<1024xf32, #tpu.memory_space<vmem>>
      tpu.enqueue_dma source(%dma_start3A_239 : memref<1024xf32, #tpu.memory_space<vmem>>) target(%dma_start3A_237 : memref<1024xf32, #tpu.memory_space<hbm>>) target_semaphore(%run_scoped3A : memref<!tpu.dma_semaphore, #tpu.memory_space<semaphore_mem>>)
      %dma_wait3A = arith.constant 3072 : i32
      %dma_wait3A_240 = tpu.memref_slice %arg13[%dma_wait3A] : memref<16384xf32, #tpu.memory_space<vmem>> -> memref<1024xf32, #tpu.memory_space<vmem>>
      %dma_wait3A_241 = arith.constant 0 : i32
      %dma_wait3A_242 = tpu.memref_slice %arg5[%add3A_170, %dma_wait3A_241] : memref<512x1024xf32, #tpu.memory_space<hbm>> -> memref<1x1024xf32, #tpu.memory_space<hbm>>
      %dma_wait3A_243 = tpu.memref_squeeze %dma_wait3A_242 : memref<1x1024xf32, #tpu.memory_space<hbm>> -> memref<1024xf32, #tpu.memory_space<hbm>>
      %dma_wait3A_244 = arith.constant 0 : i32
      %dma_wait3A_245 = tpu.memref_slice %arg5[%add3A_170, %dma_wait3A_244] : memref<512x1024xf32, #tpu.memory_space<hbm>> -> memref<1x1024xf32, #tpu.memory_space<hbm>>
      %dma_wait3A_246 = tpu.memref_squeeze %dma_wait3A_245 : memref<1x1024xf32, #tpu.memory_space<hbm>> -> memref<1024xf32, #tpu.memory_space<hbm>>
      %dma_wait3A_247 = arith.constant 3072 : i32
      %dma_wait3A_248 = tpu.memref_slice %arg13[%dma_wait3A_247] : memref<16384xf32, #tpu.memory_space<vmem>> -> memref<1024xf32, #tpu.memory_space<vmem>>
      tpu.wait_dma2 semaphore(%run_scoped3A : memref<!tpu.dma_semaphore, #tpu.memory_space<semaphore_mem>>) src(%dma_wait3A_248 : memref<1024xf32, #tpu.memory_space<vmem>>) dst(%dma_wait3A_246 : memref<1024xf32, #tpu.memory_space<hbm>>)
      tpu.yield
    }) : () -> ()
    %mul3A_171 = arith.constant 128 : i32
    %mul3A_172 = arith.muli %select_n3A, %mul3A_171 : i32
    %add3A_173 = arith.constant 32 : i32
    %add3A_174 = arith.addi %mul3A_172, %add3A_173 : i32
    %add3A_175 = arith.addi %add3A_174, %select_n3A_30 : i32
    "tpu.region"() ({
      %run_scoped3A = tpu.sem_alloc : memref<!tpu.dma_semaphore, #tpu.memory_space<semaphore_mem>>
      %dma_start3A = arith.constant 4096 : i32
      %dma_start3A_231 = tpu.memref_slice %arg13[%dma_start3A] : memref<16384xf32, #tpu.memory_space<vmem>> -> memref<1024xf32, #tpu.memory_space<vmem>>
      %dma_start3A_232 = arith.constant 0 : i32
      %dma_start3A_233 = tpu.memref_slice %arg5[%add3A_175, %dma_start3A_232] : memref<512x1024xf32, #tpu.memory_space<hbm>> -> memref<1x1024xf32, #tpu.memory_space<hbm>>
      %dma_start3A_234 = tpu.memref_squeeze %dma_start3A_233 : memref<1x1024xf32, #tpu.memory_space<hbm>> -> memref<1024xf32, #tpu.memory_space<hbm>>
      %dma_start3A_235 = arith.constant 0 : i32
      %dma_start3A_236 = tpu.memref_slice %arg5[%add3A_175, %dma_start3A_235] : memref<512x1024xf32, #tpu.memory_space<hbm>> -> memref<1x1024xf32, #tpu.memory_space<hbm>>
      %dma_start3A_237 = tpu.memref_squeeze %dma_start3A_236 : memref<1x1024xf32, #tpu.memory_space<hbm>> -> memref<1024xf32, #tpu.memory_space<hbm>>
      %dma_start3A_238 = arith.constant 4096 : i32
      %dma_start3A_239 = tpu.memref_slice %arg13[%dma_start3A_238] : memref<16384xf32, #tpu.memory_space<vmem>> -> memref<1024xf32, #tpu.memory_space<vmem>>
      tpu.enqueue_dma source(%dma_start3A_239 : memref<1024xf32, #tpu.memory_space<vmem>>) target(%dma_start3A_237 : memref<1024xf32, #tpu.memory_space<hbm>>) target_semaphore(%run_scoped3A : memref<!tpu.dma_semaphore, #tpu.memory_space<semaphore_mem>>)
      %dma_wait3A = arith.constant 4096 : i32
      %dma_wait3A_240 = tpu.memref_slice %arg13[%dma_wait3A] : memref<16384xf32, #tpu.memory_space<vmem>> -> memref<1024xf32, #tpu.memory_space<vmem>>
      %dma_wait3A_241 = arith.constant 0 : i32
      %dma_wait3A_242 = tpu.memref_slice %arg5[%add3A_175, %dma_wait3A_241] : memref<512x1024xf32, #tpu.memory_space<hbm>> -> memref<1x1024xf32, #tpu.memory_space<hbm>>
      %dma_wait3A_243 = tpu.memref_squeeze %dma_wait3A_242 : memref<1x1024xf32, #tpu.memory_space<hbm>> -> memref<1024xf32, #tpu.memory_space<hbm>>
      %dma_wait3A_244 = arith.constant 0 : i32
      %dma_wait3A_245 = tpu.memref_slice %arg5[%add3A_175, %dma_wait3A_244] : memref<512x1024xf32, #tpu.memory_space<hbm>> -> memref<1x1024xf32, #tpu.memory_space<hbm>>
      %dma_wait3A_246 = tpu.memref_squeeze %dma_wait3A_245 : memref<1x1024xf32, #tpu.memory_space<hbm>> -> memref<1024xf32, #tpu.memory_space<hbm>>
      %dma_wait3A_247 = arith.constant 4096 : i32
      %dma_wait3A_248 = tpu.memref_slice %arg13[%dma_wait3A_247] : memref<16384xf32, #tpu.memory_space<vmem>> -> memref<1024xf32, #tpu.memory_space<vmem>>
      tpu.wait_dma2 semaphore(%run_scoped3A : memref<!tpu.dma_semaphore, #tpu.memory_space<semaphore_mem>>) src(%dma_wait3A_248 : memref<1024xf32, #tpu.memory_space<vmem>>) dst(%dma_wait3A_246 : memref<1024xf32, #tpu.memory_space<hbm>>)
      tpu.yield
    }) : () -> ()
    %mul3A_176 = arith.constant 128 : i32
    %mul3A_177 = arith.muli %select_n3A, %mul3A_176 : i32
    %add3A_178 = arith.constant 40 : i32
    %add3A_179 = arith.addi %mul3A_177, %add3A_178 : i32
    %add3A_180 = arith.addi %add3A_179, %select_n3A_30 : i32
    "tpu.region"() ({
      %run_scoped3A = tpu.sem_alloc : memref<!tpu.dma_semaphore, #tpu.memory_space<semaphore_mem>>
      %dma_start3A = arith.constant 5120 : i32
      %dma_start3A_231 = tpu.memref_slice %arg13[%dma_start3A] : memref<16384xf32, #tpu.memory_space<vmem>> -> memref<1024xf32, #tpu.memory_space<vmem>>
      %dma_start3A_232 = arith.constant 0 : i32
      %dma_start3A_233 = tpu.memref_slice %arg5[%add3A_180, %dma_start3A_232] : memref<512x1024xf32, #tpu.memory_space<hbm>> -> memref<1x1024xf32, #tpu.memory_space<hbm>>
      %dma_start3A_234 = tpu.memref_squeeze %dma_start3A_233 : memref<1x1024xf32, #tpu.memory_space<hbm>> -> memref<1024xf32, #tpu.memory_space<hbm>>
      %dma_start3A_235 = arith.constant 0 : i32
      %dma_start3A_236 = tpu.memref_slice %arg5[%add3A_180, %dma_start3A_235] : memref<512x1024xf32, #tpu.memory_space<hbm>> -> memref<1x1024xf32, #tpu.memory_space<hbm>>
      %dma_start3A_237 = tpu.memref_squeeze %dma_start3A_236 : memref<1x1024xf32, #tpu.memory_space<hbm>> -> memref<1024xf32, #tpu.memory_space<hbm>>
      %dma_start3A_238 = arith.constant 5120 : i32
      %dma_start3A_239 = tpu.memref_slice %arg13[%dma_start3A_238] : memref<16384xf32, #tpu.memory_space<vmem>> -> memref<1024xf32, #tpu.memory_space<vmem>>
      tpu.enqueue_dma source(%dma_start3A_239 : memref<1024xf32, #tpu.memory_space<vmem>>) target(%dma_start3A_237 : memref<1024xf32, #tpu.memory_space<hbm>>) target_semaphore(%run_scoped3A : memref<!tpu.dma_semaphore, #tpu.memory_space<semaphore_mem>>)
      %dma_wait3A = arith.constant 5120 : i32
      %dma_wait3A_240 = tpu.memref_slice %arg13[%dma_wait3A] : memref<16384xf32, #tpu.memory_space<vmem>> -> memref<1024xf32, #tpu.memory_space<vmem>>
      %dma_wait3A_241 = arith.constant 0 : i32
      %dma_wait3A_242 = tpu.memref_slice %arg5[%add3A_180, %dma_wait3A_241] : memref<512x1024xf32, #tpu.memory_space<hbm>> -> memref<1x1024xf32, #tpu.memory_space<hbm>>
      %dma_wait3A_243 = tpu.memref_squeeze %dma_wait3A_242 : memref<1x1024xf32, #tpu.memory_space<hbm>> -> memref<1024xf32, #tpu.memory_space<hbm>>
      %dma_wait3A_244 = arith.constant 0 : i32
      %dma_wait3A_245 = tpu.memref_slice %arg5[%add3A_180, %dma_wait3A_244] : memref<512x1024xf32, #tpu.memory_space<hbm>> -> memref<1x1024xf32, #tpu.memory_space<hbm>>
      %dma_wait3A_246 = tpu.memref_squeeze %dma_wait3A_245 : memref<1x1024xf32, #tpu.memory_space<hbm>> -> memref<1024xf32, #tpu.memory_space<hbm>>
      %dma_wait3A_247 = arith.constant 5120 : i32
      %dma_wait3A_248 = tpu.memref_slice %arg13[%dma_wait3A_247] : memref<16384xf32, #tpu.memory_space<vmem>> -> memref<1024xf32, #tpu.memory_space<vmem>>
      tpu.wait_dma2 semaphore(%run_scoped3A : memref<!tpu.dma_semaphore, #tpu.memory_space<semaphore_mem>>) src(%dma_wait3A_248 : memref<1024xf32, #tpu.memory_space<vmem>>) dst(%dma_wait3A_246 : memref<1024xf32, #tpu.memory_space<hbm>>)
      tpu.yield
    }) : () -> ()
    %mul3A_181 = arith.constant 128 : i32
    %mul3A_182 = arith.muli %select_n3A, %mul3A_181 : i32
    %add3A_183 = arith.constant 48 : i32
    %add3A_184 = arith.addi %mul3A_182, %add3A_183 : i32
    %add3A_185 = arith.addi %add3A_184, %select_n3A_30 : i32
    "tpu.region"() ({
      %run_scoped3A = tpu.sem_alloc : memref<!tpu.dma_semaphore, #tpu.memory_space<semaphore_mem>>
      %dma_start3A = arith.constant 6144 : i32
      %dma_start3A_231 = tpu.memref_slice %arg13[%dma_start3A] : memref<16384xf32, #tpu.memory_space<vmem>> -> memref<1024xf32, #tpu.memory_space<vmem>>
      %dma_start3A_232 = arith.constant 0 : i32
      %dma_start3A_233 = tpu.memref_slice %arg5[%add3A_185, %dma_start3A_232] : memref<512x1024xf32, #tpu.memory_space<hbm>> -> memref<1x1024xf32, #tpu.memory_space<hbm>>
      %dma_start3A_234 = tpu.memref_squeeze %dma_start3A_233 : memref<1x1024xf32, #tpu.memory_space<hbm>> -> memref<1024xf32, #tpu.memory_space<hbm>>
      %dma_start3A_235 = arith.constant 0 : i32
      %dma_start3A_236 = tpu.memref_slice %arg5[%add3A_185, %dma_start3A_235] : memref<512x1024xf32, #tpu.memory_space<hbm>> -> memref<1x1024xf32, #tpu.memory_space<hbm>>
      %dma_start3A_237 = tpu.memref_squeeze %dma_start3A_236 : memref<1x1024xf32, #tpu.memory_space<hbm>> -> memref<1024xf32, #tpu.memory_space<hbm>>
      %dma_start3A_238 = arith.constant 6144 : i32
      %dma_start3A_239 = tpu.memref_slice %arg13[%dma_start3A_238] : memref<16384xf32, #tpu.memory_space<vmem>> -> memref<1024xf32, #tpu.memory_space<vmem>>
      tpu.enqueue_dma source(%dma_start3A_239 : memref<1024xf32, #tpu.memory_space<vmem>>) target(%dma_start3A_237 : memref<1024xf32, #tpu.memory_space<hbm>>) target_semaphore(%run_scoped3A : memref<!tpu.dma_semaphore, #tpu.memory_space<semaphore_mem>>)
      %dma_wait3A = arith.constant 6144 : i32
      %dma_wait3A_240 = tpu.memref_slice %arg13[%dma_wait3A] : memref<16384xf32, #tpu.memory_space<vmem>> -> memref<1024xf32, #tpu.memory_space<vmem>>
      %dma_wait3A_241 = arith.constant 0 : i32
      %dma_wait3A_242 = tpu.memref_slice %arg5[%add3A_185, %dma_wait3A_241] : memref<512x1024xf32, #tpu.memory_space<hbm>> -> memref<1x1024xf32, #tpu.memory_space<hbm>>
      %dma_wait3A_243 = tpu.memref_squeeze %dma_wait3A_242 : memref<1x1024xf32, #tpu.memory_space<hbm>> -> memref<1024xf32, #tpu.memory_space<hbm>>
      %dma_wait3A_244 = arith.constant 0 : i32
      %dma_wait3A_245 = tpu.memref_slice %arg5[%add3A_185, %dma_wait3A_244] : memref<512x1024xf32, #tpu.memory_space<hbm>> -> memref<1x1024xf32, #tpu.memory_space<hbm>>
      %dma_wait3A_246 = tpu.memref_squeeze %dma_wait3A_245 : memref<1x1024xf32, #tpu.memory_space<hbm>> -> memref<1024xf32, #tpu.memory_space<hbm>>
      %dma_wait3A_247 = arith.constant 6144 : i32
      %dma_wait3A_248 = tpu.memref_slice %arg13[%dma_wait3A_247] : memref<16384xf32, #tpu.memory_space<vmem>> -> memref<1024xf32, #tpu.memory_space<vmem>>
      tpu.wait_dma2 semaphore(%run_scoped3A : memref<!tpu.dma_semaphore, #tpu.memory_space<semaphore_mem>>) src(%dma_wait3A_248 : memref<1024xf32, #tpu.memory_space<vmem>>) dst(%dma_wait3A_246 : memref<1024xf32, #tpu.memory_space<hbm>>)
      tpu.yield
    }) : () -> ()
    %mul3A_186 = arith.constant 128 : i32
    %mul3A_187 = arith.muli %select_n3A, %mul3A_186 : i32
    %add3A_188 = arith.constant 56 : i32
    %add3A_189 = arith.addi %mul3A_187, %add3A_188 : i32
    %add3A_190 = arith.addi %add3A_189, %select_n3A_30 : i32
    "tpu.region"() ({
      %run_scoped3A = tpu.sem_alloc : memref<!tpu.dma_semaphore, #tpu.memory_space<semaphore_mem>>
      %dma_start3A = arith.constant 7168 : i32
      %dma_start3A_231 = tpu.memref_slice %arg13[%dma_start3A] : memref<16384xf32, #tpu.memory_space<vmem>> -> memref<1024xf32, #tpu.memory_space<vmem>>
      %dma_start3A_232 = arith.constant 0 : i32
      %dma_start3A_233 = tpu.memref_slice %arg5[%add3A_190, %dma_start3A_232] : memref<512x1024xf32, #tpu.memory_space<hbm>> -> memref<1x1024xf32, #tpu.memory_space<hbm>>
      %dma_start3A_234 = tpu.memref_squeeze %dma_start3A_233 : memref<1x1024xf32, #tpu.memory_space<hbm>> -> memref<1024xf32, #tpu.memory_space<hbm>>
      %dma_start3A_235 = arith.constant 0 : i32
      %dma_start3A_236 = tpu.memref_slice %arg5[%add3A_190, %dma_start3A_235] : memref<512x1024xf32, #tpu.memory_space<hbm>> -> memref<1x1024xf32, #tpu.memory_space<hbm>>
      %dma_start3A_237 = tpu.memref_squeeze %dma_start3A_236 : memref<1x1024xf32, #tpu.memory_space<hbm>> -> memref<1024xf32, #tpu.memory_space<hbm>>
      %dma_start3A_238 = arith.constant 7168 : i32
      %dma_start3A_239 = tpu.memref_slice %arg13[%dma_start3A_238] : memref<16384xf32, #tpu.memory_space<vmem>> -> memref<1024xf32, #tpu.memory_space<vmem>>
      tpu.enqueue_dma source(%dma_start3A_239 : memref<1024xf32, #tpu.memory_space<vmem>>) target(%dma_start3A_237 : memref<1024xf32, #tpu.memory_space<hbm>>) target_semaphore(%run_scoped3A : memref<!tpu.dma_semaphore, #tpu.memory_space<semaphore_mem>>)
      %dma_wait3A = arith.constant 7168 : i32
      %dma_wait3A_240 = tpu.memref_slice %arg13[%dma_wait3A] : memref<16384xf32, #tpu.memory_space<vmem>> -> memref<1024xf32, #tpu.memory_space<vmem>>
      %dma_wait3A_241 = arith.constant 0 : i32
      %dma_wait3A_242 = tpu.memref_slice %arg5[%add3A_190, %dma_wait3A_241] : memref<512x1024xf32, #tpu.memory_space<hbm>> -> memref<1x1024xf32, #tpu.memory_space<hbm>>
      %dma_wait3A_243 = tpu.memref_squeeze %dma_wait3A_242 : memref<1x1024xf32, #tpu.memory_space<hbm>> -> memref<1024xf32, #tpu.memory_space<hbm>>
      %dma_wait3A_244 = arith.constant 0 : i32
      %dma_wait3A_245 = tpu.memref_slice %arg5[%add3A_190, %dma_wait3A_244] : memref<512x1024xf32, #tpu.memory_space<hbm>> -> memref<1x1024xf32, #tpu.memory_space<hbm>>
      %dma_wait3A_246 = tpu.memref_squeeze %dma_wait3A_245 : memref<1x1024xf32, #tpu.memory_space<hbm>> -> memref<1024xf32, #tpu.memory_space<hbm>>
      %dma_wait3A_247 = arith.constant 7168 : i32
      %dma_wait3A_248 = tpu.memref_slice %arg13[%dma_wait3A_247] : memref<16384xf32, #tpu.memory_space<vmem>> -> memref<1024xf32, #tpu.memory_space<vmem>>
      tpu.wait_dma2 semaphore(%run_scoped3A : memref<!tpu.dma_semaphore, #tpu.memory_space<semaphore_mem>>) src(%dma_wait3A_248 : memref<1024xf32, #tpu.memory_space<vmem>>) dst(%dma_wait3A_246 : memref<1024xf32, #tpu.memory_space<hbm>>)
      tpu.yield
    }) : () -> ()
    %mul3A_191 = arith.constant 128 : i32
    %mul3A_192 = arith.muli %select_n3A, %mul3A_191 : i32
    %add3A_193 = arith.constant 64 : i32
    %add3A_194 = arith.addi %mul3A_192, %add3A_193 : i32
    %add3A_195 = arith.addi %add3A_194, %select_n3A_30 : i32
    "tpu.region"() ({
      %run_scoped3A = tpu.sem_alloc : memref<!tpu.dma_semaphore, #tpu.memory_space<semaphore_mem>>
      %dma_start3A = arith.constant 8192 : i32
      %dma_start3A_231 = tpu.memref_slice %arg13[%dma_start3A] : memref<16384xf32, #tpu.memory_space<vmem>> -> memref<1024xf32, #tpu.memory_space<vmem>>
      %dma_start3A_232 = arith.constant 0 : i32
      %dma_start3A_233 = tpu.memref_slice %arg5[%add3A_195, %dma_start3A_232] : memref<512x1024xf32, #tpu.memory_space<hbm>> -> memref<1x1024xf32, #tpu.memory_space<hbm>>
      %dma_start3A_234 = tpu.memref_squeeze %dma_start3A_233 : memref<1x1024xf32, #tpu.memory_space<hbm>> -> memref<1024xf32, #tpu.memory_space<hbm>>
      %dma_start3A_235 = arith.constant 0 : i32
      %dma_start3A_236 = tpu.memref_slice %arg5[%add3A_195, %dma_start3A_235] : memref<512x1024xf32, #tpu.memory_space<hbm>> -> memref<1x1024xf32, #tpu.memory_space<hbm>>
      %dma_start3A_237 = tpu.memref_squeeze %dma_start3A_236 : memref<1x1024xf32, #tpu.memory_space<hbm>> -> memref<1024xf32, #tpu.memory_space<hbm>>
      %dma_start3A_238 = arith.constant 8192 : i32
      %dma_start3A_239 = tpu.memref_slice %arg13[%dma_start3A_238] : memref<16384xf32, #tpu.memory_space<vmem>> -> memref<1024xf32, #tpu.memory_space<vmem>>
      tpu.enqueue_dma source(%dma_start3A_239 : memref<1024xf32, #tpu.memory_space<vmem>>) target(%dma_start3A_237 : memref<1024xf32, #tpu.memory_space<hbm>>) target_semaphore(%run_scoped3A : memref<!tpu.dma_semaphore, #tpu.memory_space<semaphore_mem>>)
      %dma_wait3A = arith.constant 8192 : i32
      %dma_wait3A_240 = tpu.memref_slice %arg13[%dma_wait3A] : memref<16384xf32, #tpu.memory_space<vmem>> -> memref<1024xf32, #tpu.memory_space<vmem>>
      %dma_wait3A_241 = arith.constant 0 : i32
      %dma_wait3A_242 = tpu.memref_slice %arg5[%add3A_195, %dma_wait3A_241] : memref<512x1024xf32, #tpu.memory_space<hbm>> -> memref<1x1024xf32, #tpu.memory_space<hbm>>
      %dma_wait3A_243 = tpu.memref_squeeze %dma_wait3A_242 : memref<1x1024xf32, #tpu.memory_space<hbm>> -> memref<1024xf32, #tpu.memory_space<hbm>>
      %dma_wait3A_244 = arith.constant 0 : i32
      %dma_wait3A_245 = tpu.memref_slice %arg5[%add3A_195, %dma_wait3A_244] : memref<512x1024xf32, #tpu.memory_space<hbm>> -> memref<1x1024xf32, #tpu.memory_space<hbm>>
      %dma_wait3A_246 = tpu.memref_squeeze %dma_wait3A_245 : memref<1x1024xf32, #tpu.memory_space<hbm>> -> memref<1024xf32, #tpu.memory_space<hbm>>
      %dma_wait3A_247 = arith.constant 8192 : i32
      %dma_wait3A_248 = tpu.memref_slice %arg13[%dma_wait3A_247] : memref<16384xf32, #tpu.memory_space<vmem>> -> memref<1024xf32, #tpu.memory_space<vmem>>
      tpu.wait_dma2 semaphore(%run_scoped3A : memref<!tpu.dma_semaphore, #tpu.memory_space<semaphore_mem>>) src(%dma_wait3A_248 : memref<1024xf32, #tpu.memory_space<vmem>>) dst(%dma_wait3A_246 : memref<1024xf32, #tpu.memory_space<hbm>>)
      tpu.yield
    }) : () -> ()
    %mul3A_196 = arith.constant 128 : i32
    %mul3A_197 = arith.muli %select_n3A, %mul3A_196 : i32
    %add3A_198 = arith.constant 72 : i32
    %add3A_199 = arith.addi %mul3A_197, %add3A_198 : i32
    %add3A_200 = arith.addi %add3A_199, %select_n3A_30 : i32
    "tpu.region"() ({
      %run_scoped3A = tpu.sem_alloc : memref<!tpu.dma_semaphore, #tpu.memory_space<semaphore_mem>>
      %dma_start3A = arith.constant 9216 : i32
      %dma_start3A_231 = tpu.memref_slice %arg13[%dma_start3A] : memref<16384xf32, #tpu.memory_space<vmem>> -> memref<1024xf32, #tpu.memory_space<vmem>>
      %dma_start3A_232 = arith.constant 0 : i32
      %dma_start3A_233 = tpu.memref_slice %arg5[%add3A_200, %dma_start3A_232] : memref<512x1024xf32, #tpu.memory_space<hbm>> -> memref<1x1024xf32, #tpu.memory_space<hbm>>
      %dma_start3A_234 = tpu.memref_squeeze %dma_start3A_233 : memref<1x1024xf32, #tpu.memory_space<hbm>> -> memref<1024xf32, #tpu.memory_space<hbm>>
      %dma_start3A_235 = arith.constant 0 : i32
      %dma_start3A_236 = tpu.memref_slice %arg5[%add3A_200, %dma_start3A_235] : memref<512x1024xf32, #tpu.memory_space<hbm>> -> memref<1x1024xf32, #tpu.memory_space<hbm>>
      %dma_start3A_237 = tpu.memref_squeeze %dma_start3A_236 : memref<1x1024xf32, #tpu.memory_space<hbm>> -> memref<1024xf32, #tpu.memory_space<hbm>>
      %dma_start3A_238 = arith.constant 9216 : i32
      %dma_start3A_239 = tpu.memref_slice %arg13[%dma_start3A_238] : memref<16384xf32, #tpu.memory_space<vmem>> -> memref<1024xf32, #tpu.memory_space<vmem>>
      tpu.enqueue_dma source(%dma_start3A_239 : memref<1024xf32, #tpu.memory_space<vmem>>) target(%dma_start3A_237 : memref<1024xf32, #tpu.memory_space<hbm>>) target_semaphore(%run_scoped3A : memref<!tpu.dma_semaphore, #tpu.memory_space<semaphore_mem>>)
      %dma_wait3A = arith.constant 9216 : i32
      %dma_wait3A_240 = tpu.memref_slice %arg13[%dma_wait3A] : memref<16384xf32, #tpu.memory_space<vmem>> -> memref<1024xf32, #tpu.memory_space<vmem>>
      %dma_wait3A_241 = arith.constant 0 : i32
      %dma_wait3A_242 = tpu.memref_slice %arg5[%add3A_200, %dma_wait3A_241] : memref<512x1024xf32, #tpu.memory_space<hbm>> -> memref<1x1024xf32, #tpu.memory_space<hbm>>
      %dma_wait3A_243 = tpu.memref_squeeze %dma_wait3A_242 : memref<1x1024xf32, #tpu.memory_space<hbm>> -> memref<1024xf32, #tpu.memory_space<hbm>>
      %dma_wait3A_244 = arith.constant 0 : i32
      %dma_wait3A_245 = tpu.memref_slice %arg5[%add3A_200, %dma_wait3A_244] : memref<512x1024xf32, #tpu.memory_space<hbm>> -> memref<1x1024xf32, #tpu.memory_space<hbm>>
      %dma_wait3A_246 = tpu.memref_squeeze %dma_wait3A_245 : memref<1x1024xf32, #tpu.memory_space<hbm>> -> memref<1024xf32, #tpu.memory_space<hbm>>
      %dma_wait3A_247 = arith.constant 9216 : i32
      %dma_wait3A_248 = tpu.memref_slice %arg13[%dma_wait3A_247] : memref<16384xf32, #tpu.memory_space<vmem>> -> memref<1024xf32, #tpu.memory_space<vmem>>
      tpu.wait_dma2 semaphore(%run_scoped3A : memref<!tpu.dma_semaphore, #tpu.memory_space<semaphore_mem>>) src(%dma_wait3A_248 : memref<1024xf32, #tpu.memory_space<vmem>>) dst(%dma_wait3A_246 : memref<1024xf32, #tpu.memory_space<hbm>>)
      tpu.yield
    }) : () -> ()
    %mul3A_201 = arith.constant 128 : i32
    %mul3A_202 = arith.muli %select_n3A, %mul3A_201 : i32
    %add3A_203 = arith.constant 80 : i32
    %add3A_204 = arith.addi %mul3A_202, %add3A_203 : i32
    %add3A_205 = arith.addi %add3A_204, %select_n3A_30 : i32
    "tpu.region"() ({
      %run_scoped3A = tpu.sem_alloc : memref<!tpu.dma_semaphore, #tpu.memory_space<semaphore_mem>>
      %dma_start3A = arith.constant 10240 : i32
      %dma_start3A_231 = tpu.memref_slice %arg13[%dma_start3A] : memref<16384xf32, #tpu.memory_space<vmem>> -> memref<1024xf32, #tpu.memory_space<vmem>>
      %dma_start3A_232 = arith.constant 0 : i32
      %dma_start3A_233 = tpu.memref_slice %arg5[%add3A_205, %dma_start3A_232] : memref<512x1024xf32, #tpu.memory_space<hbm>> -> memref<1x1024xf32, #tpu.memory_space<hbm>>
      %dma_start3A_234 = tpu.memref_squeeze %dma_start3A_233 : memref<1x1024xf32, #tpu.memory_space<hbm>> -> memref<1024xf32, #tpu.memory_space<hbm>>
      %dma_start3A_235 = arith.constant 0 : i32
      %dma_start3A_236 = tpu.memref_slice %arg5[%add3A_205, %dma_start3A_235] : memref<512x1024xf32, #tpu.memory_space<hbm>> -> memref<1x1024xf32, #tpu.memory_space<hbm>>
      %dma_start3A_237 = tpu.memref_squeeze %dma_start3A_236 : memref<1x1024xf32, #tpu.memory_space<hbm>> -> memref<1024xf32, #tpu.memory_space<hbm>>
      %dma_start3A_238 = arith.constant 10240 : i32
      %dma_start3A_239 = tpu.memref_slice %arg13[%dma_start3A_238] : memref<16384xf32, #tpu.memory_space<vmem>> -> memref<1024xf32, #tpu.memory_space<vmem>>
      tpu.enqueue_dma source(%dma_start3A_239 : memref<1024xf32, #tpu.memory_space<vmem>>) target(%dma_start3A_237 : memref<1024xf32, #tpu.memory_space<hbm>>) target_semaphore(%run_scoped3A : memref<!tpu.dma_semaphore, #tpu.memory_space<semaphore_mem>>)
      %dma_wait3A = arith.constant 10240 : i32
      %dma_wait3A_240 = tpu.memref_slice %arg13[%dma_wait3A] : memref<16384xf32, #tpu.memory_space<vmem>> -> memref<1024xf32, #tpu.memory_space<vmem>>
      %dma_wait3A_241 = arith.constant 0 : i32
      %dma_wait3A_242 = tpu.memref_slice %arg5[%add3A_205, %dma_wait3A_241] : memref<512x1024xf32, #tpu.memory_space<hbm>> -> memref<1x1024xf32, #tpu.memory_space<hbm>>
      %dma_wait3A_243 = tpu.memref_squeeze %dma_wait3A_242 : memref<1x1024xf32, #tpu.memory_space<hbm>> -> memref<1024xf32, #tpu.memory_space<hbm>>
      %dma_wait3A_244 = arith.constant 0 : i32
      %dma_wait3A_245 = tpu.memref_slice %arg5[%add3A_205, %dma_wait3A_244] : memref<512x1024xf32, #tpu.memory_space<hbm>> -> memref<1x1024xf32, #tpu.memory_space<hbm>>
      %dma_wait3A_246 = tpu.memref_squeeze %dma_wait3A_245 : memref<1x1024xf32, #tpu.memory_space<hbm>> -> memref<1024xf32, #tpu.memory_space<hbm>>
      %dma_wait3A_247 = arith.constant 10240 : i32
      %dma_wait3A_248 = tpu.memref_slice %arg13[%dma_wait3A_247] : memref<16384xf32, #tpu.memory_space<vmem>> -> memref<1024xf32, #tpu.memory_space<vmem>>
      tpu.wait_dma2 semaphore(%run_scoped3A : memref<!tpu.dma_semaphore, #tpu.memory_space<semaphore_mem>>) src(%dma_wait3A_248 : memref<1024xf32, #tpu.memory_space<vmem>>) dst(%dma_wait3A_246 : memref<1024xf32, #tpu.memory_space<hbm>>)
      tpu.yield
    }) : () -> ()
    %mul3A_206 = arith.constant 128 : i32
    %mul3A_207 = arith.muli %select_n3A, %mul3A_206 : i32
    %add3A_208 = arith.constant 88 : i32
    %add3A_209 = arith.addi %mul3A_207, %add3A_208 : i32
    %add3A_210 = arith.addi %add3A_209, %select_n3A_30 : i32
    "tpu.region"() ({
      %run_scoped3A = tpu.sem_alloc : memref<!tpu.dma_semaphore, #tpu.memory_space<semaphore_mem>>
      %dma_start3A = arith.constant 11264 : i32
      %dma_start3A_231 = tpu.memref_slice %arg13[%dma_start3A] : memref<16384xf32, #tpu.memory_space<vmem>> -> memref<1024xf32, #tpu.memory_space<vmem>>
      %dma_start3A_232 = arith.constant 0 : i32
      %dma_start3A_233 = tpu.memref_slice %arg5[%add3A_210, %dma_start3A_232] : memref<512x1024xf32, #tpu.memory_space<hbm>> -> memref<1x1024xf32, #tpu.memory_space<hbm>>
      %dma_start3A_234 = tpu.memref_squeeze %dma_start3A_233 : memref<1x1024xf32, #tpu.memory_space<hbm>> -> memref<1024xf32, #tpu.memory_space<hbm>>
      %dma_start3A_235 = arith.constant 0 : i32
      %dma_start3A_236 = tpu.memref_slice %arg5[%add3A_210, %dma_start3A_235] : memref<512x1024xf32, #tpu.memory_space<hbm>> -> memref<1x1024xf32, #tpu.memory_space<hbm>>
      %dma_start3A_237 = tpu.memref_squeeze %dma_start3A_236 : memref<1x1024xf32, #tpu.memory_space<hbm>> -> memref<1024xf32, #tpu.memory_space<hbm>>
      %dma_start3A_238 = arith.constant 11264 : i32
      %dma_start3A_239 = tpu.memref_slice %arg13[%dma_start3A_238] : memref<16384xf32, #tpu.memory_space<vmem>> -> memref<1024xf32, #tpu.memory_space<vmem>>
      tpu.enqueue_dma source(%dma_start3A_239 : memref<1024xf32, #tpu.memory_space<vmem>>) target(%dma_start3A_237 : memref<1024xf32, #tpu.memory_space<hbm>>) target_semaphore(%run_scoped3A : memref<!tpu.dma_semaphore, #tpu.memory_space<semaphore_mem>>)
      %dma_wait3A = arith.constant 11264 : i32
      %dma_wait3A_240 = tpu.memref_slice %arg13[%dma_wait3A] : memref<16384xf32, #tpu.memory_space<vmem>> -> memref<1024xf32, #tpu.memory_space<vmem>>
      %dma_wait3A_241 = arith.constant 0 : i32
      %dma_wait3A_242 = tpu.memref_slice %arg5[%add3A_210, %dma_wait3A_241] : memref<512x1024xf32, #tpu.memory_space<hbm>> -> memref<1x1024xf32, #tpu.memory_space<hbm>>
      %dma_wait3A_243 = tpu.memref_squeeze %dma_wait3A_242 : memref<1x1024xf32, #tpu.memory_space<hbm>> -> memref<1024xf32, #tpu.memory_space<hbm>>
      %dma_wait3A_244 = arith.constant 0 : i32
      %dma_wait3A_245 = tpu.memref_slice %arg5[%add3A_210, %dma_wait3A_244] : memref<512x1024xf32, #tpu.memory_space<hbm>> -> memref<1x1024xf32, #tpu.memory_space<hbm>>
      %dma_wait3A_246 = tpu.memref_squeeze %dma_wait3A_245 : memref<1x1024xf32, #tpu.memory_space<hbm>> -> memref<1024xf32, #tpu.memory_space<hbm>>
      %dma_wait3A_247 = arith.constant 11264 : i32
      %dma_wait3A_248 = tpu.memref_slice %arg13[%dma_wait3A_247] : memref<16384xf32, #tpu.memory_space<vmem>> -> memref<1024xf32, #tpu.memory_space<vmem>>
      tpu.wait_dma2 semaphore(%run_scoped3A : memref<!tpu.dma_semaphore, #tpu.memory_space<semaphore_mem>>) src(%dma_wait3A_248 : memref<1024xf32, #tpu.memory_space<vmem>>) dst(%dma_wait3A_246 : memref<1024xf32, #tpu.memory_space<hbm>>)
      tpu.yield
    }) : () -> ()
    %mul3A_211 = arith.constant 128 : i32
    %mul3A_212 = arith.muli %select_n3A, %mul3A_211 : i32
    %add3A_213 = arith.constant 96 : i32
    %add3A_214 = arith.addi %mul3A_212, %add3A_213 : i32
    %add3A_215 = arith.addi %add3A_214, %select_n3A_30 : i32
    "tpu.region"() ({
      %run_scoped3A = tpu.sem_alloc : memref<!tpu.dma_semaphore, #tpu.memory_space<semaphore_mem>>
      %dma_start3A = arith.constant 12288 : i32
      %dma_start3A_231 = tpu.memref_slice %arg13[%dma_start3A] : memref<16384xf32, #tpu.memory_space<vmem>> -> memref<1024xf32, #tpu.memory_space<vmem>>
      %dma_start3A_232 = arith.constant 0 : i32
      %dma_start3A_233 = tpu.memref_slice %arg5[%add3A_215, %dma_start3A_232] : memref<512x1024xf32, #tpu.memory_space<hbm>> -> memref<1x1024xf32, #tpu.memory_space<hbm>>
      %dma_start3A_234 = tpu.memref_squeeze %dma_start3A_233 : memref<1x1024xf32, #tpu.memory_space<hbm>> -> memref<1024xf32, #tpu.memory_space<hbm>>
      %dma_start3A_235 = arith.constant 0 : i32
      %dma_start3A_236 = tpu.memref_slice %arg5[%add3A_215, %dma_start3A_235] : memref<512x1024xf32, #tpu.memory_space<hbm>> -> memref<1x1024xf32, #tpu.memory_space<hbm>>
      %dma_start3A_237 = tpu.memref_squeeze %dma_start3A_236 : memref<1x1024xf32, #tpu.memory_space<hbm>> -> memref<1024xf32, #tpu.memory_space<hbm>>
      %dma_start3A_238 = arith.constant 12288 : i32
      %dma_start3A_239 = tpu.memref_slice %arg13[%dma_start3A_238] : memref<16384xf32, #tpu.memory_space<vmem>> -> memref<1024xf32, #tpu.memory_space<vmem>>
      tpu.enqueue_dma source(%dma_start3A_239 : memref<1024xf32, #tpu.memory_space<vmem>>) target(%dma_start3A_237 : memref<1024xf32, #tpu.memory_space<hbm>>) target_semaphore(%run_scoped3A : memref<!tpu.dma_semaphore, #tpu.memory_space<semaphore_mem>>)
      %dma_wait3A = arith.constant 12288 : i32
      %dma_wait3A_240 = tpu.memref_slice %arg13[%dma_wait3A] : memref<16384xf32, #tpu.memory_space<vmem>> -> memref<1024xf32, #tpu.memory_space<vmem>>
      %dma_wait3A_241 = arith.constant 0 : i32
      %dma_wait3A_242 = tpu.memref_slice %arg5[%add3A_215, %dma_wait3A_241] : memref<512x1024xf32, #tpu.memory_space<hbm>> -> memref<1x1024xf32, #tpu.memory_space<hbm>>
      %dma_wait3A_243 = tpu.memref_squeeze %dma_wait3A_242 : memref<1x1024xf32, #tpu.memory_space<hbm>> -> memref<1024xf32, #tpu.memory_space<hbm>>
      %dma_wait3A_244 = arith.constant 0 : i32
      %dma_wait3A_245 = tpu.memref_slice %arg5[%add3A_215, %dma_wait3A_244] : memref<512x1024xf32, #tpu.memory_space<hbm>> -> memref<1x1024xf32, #tpu.memory_space<hbm>>
      %dma_wait3A_246 = tpu.memref_squeeze %dma_wait3A_245 : memref<1x1024xf32, #tpu.memory_space<hbm>> -> memref<1024xf32, #tpu.memory_space<hbm>>
      %dma_wait3A_247 = arith.constant 12288 : i32
      %dma_wait3A_248 = tpu.memref_slice %arg13[%dma_wait3A_247] : memref<16384xf32, #tpu.memory_space<vmem>> -> memref<1024xf32, #tpu.memory_space<vmem>>
      tpu.wait_dma2 semaphore(%run_scoped3A : memref<!tpu.dma_semaphore, #tpu.memory_space<semaphore_mem>>) src(%dma_wait3A_248 : memref<1024xf32, #tpu.memory_space<vmem>>) dst(%dma_wait3A_246 : memref<1024xf32, #tpu.memory_space<hbm>>)
      tpu.yield
    }) : () -> ()
    %mul3A_216 = arith.constant 128 : i32
    %mul3A_217 = arith.muli %select_n3A, %mul3A_216 : i32
    %add3A_218 = arith.constant 104 : i32
    %add3A_219 = arith.addi %mul3A_217, %add3A_218 : i32
    %add3A_220 = arith.addi %add3A_219, %select_n3A_30 : i32
    "tpu.region"() ({
      %run_scoped3A = tpu.sem_alloc : memref<!tpu.dma_semaphore, #tpu.memory_space<semaphore_mem>>
      %dma_start3A = arith.constant 13312 : i32
      %dma_start3A_231 = tpu.memref_slice %arg13[%dma_start3A] : memref<16384xf32, #tpu.memory_space<vmem>> -> memref<1024xf32, #tpu.memory_space<vmem>>
      %dma_start3A_232 = arith.constant 0 : i32
      %dma_start3A_233 = tpu.memref_slice %arg5[%add3A_220, %dma_start3A_232] : memref<512x1024xf32, #tpu.memory_space<hbm>> -> memref<1x1024xf32, #tpu.memory_space<hbm>>
      %dma_start3A_234 = tpu.memref_squeeze %dma_start3A_233 : memref<1x1024xf32, #tpu.memory_space<hbm>> -> memref<1024xf32, #tpu.memory_space<hbm>>
      %dma_start3A_235 = arith.constant 0 : i32
      %dma_start3A_236 = tpu.memref_slice %arg5[%add3A_220, %dma_start3A_235] : memref<512x1024xf32, #tpu.memory_space<hbm>> -> memref<1x1024xf32, #tpu.memory_space<hbm>>
      %dma_start3A_237 = tpu.memref_squeeze %dma_start3A_236 : memref<1x1024xf32, #tpu.memory_space<hbm>> -> memref<1024xf32, #tpu.memory_space<hbm>>
      %dma_start3A_238 = arith.constant 13312 : i32
      %dma_start3A_239 = tpu.memref_slice %arg13[%dma_start3A_238] : memref<16384xf32, #tpu.memory_space<vmem>> -> memref<1024xf32, #tpu.memory_space<vmem>>
      tpu.enqueue_dma source(%dma_start3A_239 : memref<1024xf32, #tpu.memory_space<vmem>>) target(%dma_start3A_237 : memref<1024xf32, #tpu.memory_space<hbm>>) target_semaphore(%run_scoped3A : memref<!tpu.dma_semaphore, #tpu.memory_space<semaphore_mem>>)
      %dma_wait3A = arith.constant 13312 : i32
      %dma_wait3A_240 = tpu.memref_slice %arg13[%dma_wait3A] : memref<16384xf32, #tpu.memory_space<vmem>> -> memref<1024xf32, #tpu.memory_space<vmem>>
      %dma_wait3A_241 = arith.constant 0 : i32
      %dma_wait3A_242 = tpu.memref_slice %arg5[%add3A_220, %dma_wait3A_241] : memref<512x1024xf32, #tpu.memory_space<hbm>> -> memref<1x1024xf32, #tpu.memory_space<hbm>>
      %dma_wait3A_243 = tpu.memref_squeeze %dma_wait3A_242 : memref<1x1024xf32, #tpu.memory_space<hbm>> -> memref<1024xf32, #tpu.memory_space<hbm>>
      %dma_wait3A_244 = arith.constant 0 : i32
      %dma_wait3A_245 = tpu.memref_slice %arg5[%add3A_220, %dma_wait3A_244] : memref<512x1024xf32, #tpu.memory_space<hbm>> -> memref<1x1024xf32, #tpu.memory_space<hbm>>
      %dma_wait3A_246 = tpu.memref_squeeze %dma_wait3A_245 : memref<1x1024xf32, #tpu.memory_space<hbm>> -> memref<1024xf32, #tpu.memory_space<hbm>>
      %dma_wait3A_247 = arith.constant 13312 : i32
      %dma_wait3A_248 = tpu.memref_slice %arg13[%dma_wait3A_247] : memref<16384xf32, #tpu.memory_space<vmem>> -> memref<1024xf32, #tpu.memory_space<vmem>>
      tpu.wait_dma2 semaphore(%run_scoped3A : memref<!tpu.dma_semaphore, #tpu.memory_space<semaphore_mem>>) src(%dma_wait3A_248 : memref<1024xf32, #tpu.memory_space<vmem>>) dst(%dma_wait3A_246 : memref<1024xf32, #tpu.memory_space<hbm>>)
      tpu.yield
    }) : () -> ()
    %mul3A_221 = arith.constant 128 : i32
    %mul3A_222 = arith.muli %select_n3A, %mul3A_221 : i32
    %add3A_223 = arith.constant 112 : i32
    %add3A_224 = arith.addi %mul3A_222, %add3A_223 : i32
    %add3A_225 = arith.addi %add3A_224, %select_n3A_30 : i32
    "tpu.region"() ({
      %run_scoped3A = tpu.sem_alloc : memref<!tpu.dma_semaphore, #tpu.memory_space<semaphore_mem>>
      %dma_start3A = arith.constant 14336 : i32
      %dma_start3A_231 = tpu.memref_slice %arg13[%dma_start3A] : memref<16384xf32, #tpu.memory_space<vmem>> -> memref<1024xf32, #tpu.memory_space<vmem>>
      %dma_start3A_232 = arith.constant 0 : i32
      %dma_start3A_233 = tpu.memref_slice %arg5[%add3A_225, %dma_start3A_232] : memref<512x1024xf32, #tpu.memory_space<hbm>> -> memref<1x1024xf32, #tpu.memory_space<hbm>>
      %dma_start3A_234 = tpu.memref_squeeze %dma_start3A_233 : memref<1x1024xf32, #tpu.memory_space<hbm>> -> memref<1024xf32, #tpu.memory_space<hbm>>
      %dma_start3A_235 = arith.constant 0 : i32
      %dma_start3A_236 = tpu.memref_slice %arg5[%add3A_225, %dma_start3A_235] : memref<512x1024xf32, #tpu.memory_space<hbm>> -> memref<1x1024xf32, #tpu.memory_space<hbm>>
      %dma_start3A_237 = tpu.memref_squeeze %dma_start3A_236 : memref<1x1024xf32, #tpu.memory_space<hbm>> -> memref<1024xf32, #tpu.memory_space<hbm>>
      %dma_start3A_238 = arith.constant 14336 : i32
      %dma_start3A_239 = tpu.memref_slice %arg13[%dma_start3A_238] : memref<16384xf32, #tpu.memory_space<vmem>> -> memref<1024xf32, #tpu.memory_space<vmem>>
      tpu.enqueue_dma source(%dma_start3A_239 : memref<1024xf32, #tpu.memory_space<vmem>>) target(%dma_start3A_237 : memref<1024xf32, #tpu.memory_space<hbm>>) target_semaphore(%run_scoped3A : memref<!tpu.dma_semaphore, #tpu.memory_space<semaphore_mem>>)
      %dma_wait3A = arith.constant 14336 : i32
      %dma_wait3A_240 = tpu.memref_slice %arg13[%dma_wait3A] : memref<16384xf32, #tpu.memory_space<vmem>> -> memref<1024xf32, #tpu.memory_space<vmem>>
      %dma_wait3A_241 = arith.constant 0 : i32
      %dma_wait3A_242 = tpu.memref_slice %arg5[%add3A_225, %dma_wait3A_241] : memref<512x1024xf32, #tpu.memory_space<hbm>> -> memref<1x1024xf32, #tpu.memory_space<hbm>>
      %dma_wait3A_243 = tpu.memref_squeeze %dma_wait3A_242 : memref<1x1024xf32, #tpu.memory_space<hbm>> -> memref<1024xf32, #tpu.memory_space<hbm>>
      %dma_wait3A_244 = arith.constant 0 : i32
      %dma_wait3A_245 = tpu.memref_slice %arg5[%add3A_225, %dma_wait3A_244] : memref<512x1024xf32, #tpu.memory_space<hbm>> -> memref<1x1024xf32, #tpu.memory_space<hbm>>
      %dma_wait3A_246 = tpu.memref_squeeze %dma_wait3A_245 : memref<1x1024xf32, #tpu.memory_space<hbm>> -> memref<1024xf32, #tpu.memory_space<hbm>>
      %dma_wait3A_247 = arith.constant 14336 : i32
      %dma_wait3A_248 = tpu.memref_slice %arg13[%dma_wait3A_247] : memref<16384xf32, #tpu.memory_space<vmem>> -> memref<1024xf32, #tpu.memory_space<vmem>>
      tpu.wait_dma2 semaphore(%run_scoped3A : memref<!tpu.dma_semaphore, #tpu.memory_space<semaphore_mem>>) src(%dma_wait3A_248 : memref<1024xf32, #tpu.memory_space<vmem>>) dst(%dma_wait3A_246 : memref<1024xf32, #tpu.memory_space<hbm>>)
      tpu.yield
    }) : () -> ()
    %mul3A_226 = arith.constant 128 : i32
    %mul3A_227 = arith.muli %select_n3A, %mul3A_226 : i32
    %add3A_228 = arith.constant 120 : i32
    %add3A_229 = arith.addi %mul3A_227, %add3A_228 : i32
    %add3A_230 = arith.addi %add3A_229, %select_n3A_30 : i32
    "tpu.region"() ({
      %run_scoped3A = tpu.sem_alloc : memref<!tpu.dma_semaphore, #tpu.memory_space<semaphore_mem>>
      %dma_start3A = arith.constant 15360 : i32
      %dma_start3A_231 = tpu.memref_slice %arg13[%dma_start3A] : memref<16384xf32, #tpu.memory_space<vmem>> -> memref<1024xf32, #tpu.memory_space<vmem>>
      %dma_start3A_232 = arith.constant 0 : i32
      %dma_start3A_233 = tpu.memref_slice %arg5[%add3A_230, %dma_start3A_232] : memref<512x1024xf32, #tpu.memory_space<hbm>> -> memref<1x1024xf32, #tpu.memory_space<hbm>>
      %dma_start3A_234 = tpu.memref_squeeze %dma_start3A_233 : memref<1x1024xf32, #tpu.memory_space<hbm>> -> memref<1024xf32, #tpu.memory_space<hbm>>
      %dma_start3A_235 = arith.constant 0 : i32
      %dma_start3A_236 = tpu.memref_slice %arg5[%add3A_230, %dma_start3A_235] : memref<512x1024xf32, #tpu.memory_space<hbm>> -> memref<1x1024xf32, #tpu.memory_space<hbm>>
      %dma_start3A_237 = tpu.memref_squeeze %dma_start3A_236 : memref<1x1024xf32, #tpu.memory_space<hbm>> -> memref<1024xf32, #tpu.memory_space<hbm>>
      %dma_start3A_238 = arith.constant 15360 : i32
      %dma_start3A_239 = tpu.memref_slice %arg13[%dma_start3A_238] : memref<16384xf32, #tpu.memory_space<vmem>> -> memref<1024xf32, #tpu.memory_space<vmem>>
      tpu.enqueue_dma source(%dma_start3A_239 : memref<1024xf32, #tpu.memory_space<vmem>>) target(%dma_start3A_237 : memref<1024xf32, #tpu.memory_space<hbm>>) target_semaphore(%run_scoped3A : memref<!tpu.dma_semaphore, #tpu.memory_space<semaphore_mem>>)
      %dma_wait3A = arith.constant 15360 : i32
      %dma_wait3A_240 = tpu.memref_slice %arg13[%dma_wait3A] : memref<16384xf32, #tpu.memory_space<vmem>> -> memref<1024xf32, #tpu.memory_space<vmem>>
      %dma_wait3A_241 = arith.constant 0 : i32
      %dma_wait3A_242 = tpu.memref_slice %arg5[%add3A_230, %dma_wait3A_241] : memref<512x1024xf32, #tpu.memory_space<hbm>> -> memref<1x1024xf32, #tpu.memory_space<hbm>>
      %dma_wait3A_243 = tpu.memref_squeeze %dma_wait3A_242 : memref<1x1024xf32, #tpu.memory_space<hbm>> -> memref<1024xf32, #tpu.memory_space<hbm>>
      %dma_wait3A_244 = arith.constant 0 : i32
      %dma_wait3A_245 = tpu.memref_slice %arg5[%add3A_230, %dma_wait3A_244] : memref<512x1024xf32, #tpu.memory_space<hbm>> -> memref<1x1024xf32, #tpu.memory_space<hbm>>
      %dma_wait3A_246 = tpu.memref_squeeze %dma_wait3A_245 : memref<1x1024xf32, #tpu.memory_space<hbm>> -> memref<1024xf32, #tpu.memory_space<hbm>>
      %dma_wait3A_247 = arith.constant 15360 : i32
      %dma_wait3A_248 = tpu.memref_slice %arg13[%dma_wait3A_247] : memref<16384xf32, #tpu.memory_space<vmem>> -> memref<1024xf32, #tpu.memory_space<vmem>>
      tpu.wait_dma2 semaphore(%run_scoped3A : memref<!tpu.dma_semaphore, #tpu.memory_space<semaphore_mem>>) src(%dma_wait3A_248 : memref<1024xf32, #tpu.memory_space<vmem>>) dst(%dma_wait3A_246 : memref<1024xf32, #tpu.memory_space<hbm>>)
      tpu.yield
    }) : () -> ()
    return
  }
}

module attributes {stable_mosaic.version = 14 : i64} {
  func.func @_proj_z_body(%arg0: i32, %arg1: memref<1x9x32x32x192xf32, #tpu.memory_space<vmem>>, %arg2: memref<192x2xf32, #tpu.memory_space<vmem>>, %arg3: memref<1xf32, #tpu.memory_space<vmem>>, %arg4: memref<1xf32, #tpu.memory_space<vmem>>, %arg5: memref<8x1024xf32, #tpu.memory_space<vmem>>, %arg6: memref<8x1024xf32, #tpu.memory_space<vmem>>, %arg7: memref<8x1024xf32, #tpu.memory_space<vmem>>) attributes {dimension_semantics = [#tpu.dimension_semantics<arbitrary>], iteration_bounds = array<i64: 4>, scalar_prefetch = 0 : i64, scratch_operands = 0 : i64, tpu.core_type = #tpu.core_type<tc>, window_params = [{transform_indices = @transform_0, window_bounds = array<i64: 1, 9, 32, 32, 192>}, {pipeline_mode = #tpu.pipeline_mode<synchronous>, transform_indices = @transform_1, window_bounds = array<i64: 192, 2>}, {pipeline_mode = #tpu.pipeline_mode<synchronous>, transform_indices = @transform_2, window_bounds = array<i64: 1>}, {pipeline_mode = #tpu.pipeline_mode<synchronous>, transform_indices = @transform_3, window_bounds = array<i64: 1>}, {transform_indices = @transform_4, window_bounds = array<i64: 8, 1024>}, {transform_indices = @transform_5, window_bounds = array<i64: 8, 1024>}, {transform_indices = @transform_6, window_bounds = array<i64: 8, 1024>}]} {
    %get3A = arith.constant 0 : index
    %get3A_0 = arith.constant 0 : index
    %get3A_1 = arith.constant 0 : index
    %get3A_2 = arith.constant 0 : index
    %get3A_3 = arith.constant 0 : index
    %get3A_4 = vector.load %arg1[%get3A, %get3A_0, %get3A_1, %get3A_2, %get3A_3] : memref<1x9x32x32x192xf32, #tpu.memory_space<vmem>>, vector<1x1x32x32x192xf32>
    %get3A_5 = vector.shape_cast %get3A_4 : vector<1x1x32x32x192xf32> to vector<32x32x192xf32>
    %reshape3A = vector.shape_cast %get3A_5 : vector<32x32x192xf32> to vector<1024x192xf32>
    %get3A_6 = arith.constant 0 : index
    %get3A_7 = arith.constant 0 : index
    %get3A_8 = vector.load %arg2[%get3A_6, %get3A_7] : memref<192x2xf32, #tpu.memory_space<vmem>>, vector<192x2xf32>
    %dot_general3A = arith.constant dense<0.000000e+00> : vector<1024x2xf32>
    %dot_general3A_9 = tpu.matmul %reshape3A, %get3A_8, %dot_general3A {dimension_numbers = #tpu.dot_dimension_numbers<[1], [0], [0], [1], [0, 0, 1, 1], [], []>, transpose_lhs_hint = false} : vector<1024x192xf32>, vector<192x2xf32>, vector<1024x2xf32> -> vector<1024x2xf32>
    %transpose3A = tpu.transpose %dot_general3A_9, [1, 0] : vector<1024x2xf32> -> vector<2x1024xf32>
    %slice3A = vector.extract_strided_slice %transpose3A {offsets = [0, 0], sizes = [1, 1024], strides = [1, 1]} : vector<2x1024xf32> to vector<1x1024xf32>
    %squeeze3A = vector.shape_cast %slice3A : vector<1x1024xf32> to vector<1024xf32>
    %get3A_10 = arith.constant 0 : index
    %get3A_11 = vector.load %arg3[%get3A_10] : memref<1xf32, #tpu.memory_space<vmem>>, vector<1xf32>
    %get3A_12 = vector.extract %get3A_11[0] : f32 from vector<1xf32>
    %add3A = vector.broadcast %get3A_12 : f32 to vector<1024xf32>
    %add3A_13 = arith.addf %squeeze3A, %add3A : vector<1024xf32>
    %swap3A = arith.constant 0 : index
    %swap3A_14 = arith.constant 0 : index
    %swap3A_15 = vector.load %arg5[%swap3A, %swap3A_14] : memref<8x1024xf32, #tpu.memory_space<vmem>>, vector<1x1024xf32>
    %swap3A_16 = vector.shape_cast %swap3A_15 : vector<1x1024xf32> to vector<1024xf32>
    %swap3A_17 = vector.shape_cast %add3A_13 : vector<1024xf32> to vector<1x1024xf32>
    tpu.vector_store %arg5[%swap3A, %swap3A_14], %swap3A_17 {strides = array<i32>} : memref<8x1024xf32, #tpu.memory_space<vmem>>, vector<1x1024xf32>,
    %get3A_18 = arith.constant 0 : index
    %get3A_19 = arith.constant 1 : index
    %get3A_20 = arith.constant 0 : index
    %get3A_21 = arith.constant 0 : index
    %get3A_22 = arith.constant 0 : index
    %get3A_23 = vector.load %arg1[%get3A_18, %get3A_19, %get3A_20, %get3A_21, %get3A_22] : memref<1x9x32x32x192xf32, #tpu.memory_space<vmem>>, vector<1x1x32x32x192xf32>
    %get3A_24 = vector.shape_cast %get3A_23 : vector<1x1x32x32x192xf32> to vector<32x32x192xf32>
    %reshape3A_25 = vector.shape_cast %get3A_24 : vector<32x32x192xf32> to vector<1024x192xf32>
    %get3A_26 = arith.constant 0 : index
    %get3A_27 = arith.constant 0 : index
    %get3A_28 = vector.load %arg2[%get3A_26, %get3A_27] : memref<192x2xf32, #tpu.memory_space<vmem>>, vector<192x2xf32>
    %dot_general3A_29 = arith.constant dense<0.000000e+00> : vector<1024x2xf32>
    %dot_general3A_30 = tpu.matmul %reshape3A_25, %get3A_28, %dot_general3A_29 {dimension_numbers = #tpu.dot_dimension_numbers<[1], [0], [0], [1], [0, 0, 1, 1], [], []>, transpose_lhs_hint = false} : vector<1024x192xf32>, vector<192x2xf32>, vector<1024x2xf32> -> vector<1024x2xf32>
    %transpose3A_31 = tpu.transpose %dot_general3A_30, [1, 0] : vector<1024x2xf32> -> vector<2x1024xf32>
    %slice3A_32 = vector.extract_strided_slice %transpose3A_31 {offsets = [0, 0], sizes = [1, 1024], strides = [1, 1]} : vector<2x1024xf32> to vector<1x1024xf32>
    %squeeze3A_33 = vector.shape_cast %slice3A_32 : vector<1x1024xf32> to vector<1024xf32>
    %get3A_34 = arith.constant 0 : index
    %get3A_35 = vector.load %arg3[%get3A_34] : memref<1xf32, #tpu.memory_space<vmem>>, vector<1xf32>
    %get3A_36 = vector.extract %get3A_35[0] : f32 from vector<1xf32>
    %add3A_37 = vector.broadcast %get3A_36 : f32 to vector<1024xf32>
    %add3A_38 = arith.addf %squeeze3A_33, %add3A_37 : vector<1024xf32>
    %swap3A_39 = arith.constant 1 : index
    %swap3A_40 = arith.constant 0 : index
    %swap3A_41 = vector.load %arg5[%swap3A_39, %swap3A_40] : memref<8x1024xf32, #tpu.memory_space<vmem>>, vector<1x1024xf32>
    %swap3A_42 = vector.shape_cast %swap3A_41 : vector<1x1024xf32> to vector<1024xf32>
    %swap3A_43 = vector.shape_cast %add3A_38 : vector<1024xf32> to vector<1x1024xf32>
    tpu.vector_store %arg5[%swap3A_39, %swap3A_40], %swap3A_43 {strides = array<i32>} : memref<8x1024xf32, #tpu.memory_space<vmem>>, vector<1x1024xf32>,
    %slice3A_44 = vector.extract_strided_slice %transpose3A_31 {offsets = [1, 0], sizes = [1, 1024], strides = [1, 1]} : vector<2x1024xf32> to vector<1x1024xf32>
    %squeeze3A_45 = vector.shape_cast %slice3A_44 : vector<1x1024xf32> to vector<1024xf32>
    %get3A_46 = arith.constant 0 : index
    %get3A_47 = vector.load %arg4[%get3A_46] : memref<1xf32, #tpu.memory_space<vmem>>, vector<1xf32>
    %get3A_48 = vector.extract %get3A_47[0] : f32 from vector<1xf32>
    %add3A_49 = vector.broadcast %get3A_48 : f32 to vector<1024xf32>
    %add3A_50 = arith.addf %squeeze3A_45, %add3A_49 : vector<1024xf32>
    %swap3A_51 = arith.constant 0 : index
    %swap3A_52 = arith.constant 0 : index
    %swap3A_53 = vector.load %arg6[%swap3A_51, %swap3A_52] : memref<8x1024xf32, #tpu.memory_space<vmem>>, vector<1x1024xf32>
    %swap3A_54 = vector.shape_cast %swap3A_53 : vector<1x1024xf32> to vector<1024xf32>
    %swap3A_55 = vector.shape_cast %add3A_50 : vector<1024xf32> to vector<1x1024xf32>
    tpu.vector_store %arg6[%swap3A_51, %swap3A_52], %swap3A_55 {strides = array<i32>} : memref<8x1024xf32, #tpu.memory_space<vmem>>, vector<1x1024xf32>,
    %get3A_56 = arith.constant 0 : index
    %get3A_57 = arith.constant 2 : index
    %get3A_58 = arith.constant 0 : index
    %get3A_59 = arith.constant 0 : index
    %get3A_60 = arith.constant 0 : index
    %get3A_61 = vector.load %arg1[%get3A_56, %get3A_57, %get3A_58, %get3A_59, %get3A_60] : memref<1x9x32x32x192xf32, #tpu.memory_space<vmem>>, vector<1x1x32x32x192xf32>
    %get3A_62 = vector.shape_cast %get3A_61 : vector<1x1x32x32x192xf32> to vector<32x32x192xf32>
    %reshape3A_63 = vector.shape_cast %get3A_62 : vector<32x32x192xf32> to vector<1024x192xf32>
    %get3A_64 = arith.constant 0 : index
    %get3A_65 = arith.constant 0 : index
    %get3A_66 = vector.load %arg2[%get3A_64, %get3A_65] : memref<192x2xf32, #tpu.memory_space<vmem>>, vector<192x2xf32>
    %dot_general3A_67 = arith.constant dense<0.000000e+00> : vector<1024x2xf32>
    %dot_general3A_68 = tpu.matmul %reshape3A_63, %get3A_66, %dot_general3A_67 {dimension_numbers = #tpu.dot_dimension_numbers<[1], [0], [0], [1], [0, 0, 1, 1], [], []>, transpose_lhs_hint = false} : vector<1024x192xf32>, vector<192x2xf32>, vector<1024x2xf32> -> vector<1024x2xf32>
    %transpose3A_69 = tpu.transpose %dot_general3A_68, [1, 0] : vector<1024x2xf32> -> vector<2x1024xf32>
    %slice3A_70 = vector.extract_strided_slice %transpose3A_69 {offsets = [0, 0], sizes = [1, 1024], strides = [1, 1]} : vector<2x1024xf32> to vector<1x1024xf32>
    %squeeze3A_71 = vector.shape_cast %slice3A_70 : vector<1x1024xf32> to vector<1024xf32>
    %get3A_72 = arith.constant 0 : index
    %get3A_73 = vector.load %arg3[%get3A_72] : memref<1xf32, #tpu.memory_space<vmem>>, vector<1xf32>
    %get3A_74 = vector.extract %get3A_73[0] : f32 from vector<1xf32>
    %add3A_75 = vector.broadcast %get3A_74 : f32 to vector<1024xf32>
    %add3A_76 = arith.addf %squeeze3A_71, %add3A_75 : vector<1024xf32>
    %swap3A_77 = arith.constant 2 : index
    %swap3A_78 = arith.constant 0 : index
    %swap3A_79 = vector.load %arg5[%swap3A_77, %swap3A_78] : memref<8x1024xf32, #tpu.memory_space<vmem>>, vector<1x1024xf32>
    %swap3A_80 = vector.shape_cast %swap3A_79 : vector<1x1024xf32> to vector<1024xf32>
    %swap3A_81 = vector.shape_cast %add3A_76 : vector<1024xf32> to vector<1x1024xf32>
    tpu.vector_store %arg5[%swap3A_77, %swap3A_78], %swap3A_81 {strides = array<i32>} : memref<8x1024xf32, #tpu.memory_space<vmem>>, vector<1x1024xf32>,
    %slice3A_82 = vector.extract_strided_slice %transpose3A_69 {offsets = [1, 0], sizes = [1, 1024], strides = [1, 1]} : vector<2x1024xf32> to vector<1x1024xf32>
    %squeeze3A_83 = vector.shape_cast %slice3A_82 : vector<1x1024xf32> to vector<1024xf32>
    %get3A_84 = arith.constant 0 : index
    %get3A_85 = vector.load %arg4[%get3A_84] : memref<1xf32, #tpu.memory_space<vmem>>, vector<1xf32>
    %get3A_86 = vector.extract %get3A_85[0] : f32 from vector<1xf32>
    %add3A_87 = vector.broadcast %get3A_86 : f32 to vector<1024xf32>
    %add3A_88 = arith.addf %squeeze3A_83, %add3A_87 : vector<1024xf32>
    %swap3A_89 = arith.constant 1 : index
    %swap3A_90 = arith.constant 0 : index
    %swap3A_91 = vector.load %arg6[%swap3A_89, %swap3A_90] : memref<8x1024xf32, #tpu.memory_space<vmem>>, vector<1x1024xf32>
    %swap3A_92 = vector.shape_cast %swap3A_91 : vector<1x1024xf32> to vector<1024xf32>
    %swap3A_93 = vector.shape_cast %add3A_88 : vector<1024xf32> to vector<1x1024xf32>
    tpu.vector_store %arg6[%swap3A_89, %swap3A_90], %swap3A_93 {strides = array<i32>} : memref<8x1024xf32, #tpu.memory_space<vmem>>, vector<1x1024xf32>,
    %get3A_94 = arith.constant 0 : index
    %get3A_95 = arith.constant 3 : index
    %get3A_96 = arith.constant 0 : index
    %get3A_97 = arith.constant 0 : index
    %get3A_98 = arith.constant 0 : index
    %get3A_99 = vector.load %arg1[%get3A_94, %get3A_95, %get3A_96, %get3A_97, %get3A_98] : memref<1x9x32x32x192xf32, #tpu.memory_space<vmem>>, vector<1x1x32x32x192xf32>
    %get3A_100 = vector.shape_cast %get3A_99 : vector<1x1x32x32x192xf32> to vector<32x32x192xf32>
    %reshape3A_101 = vector.shape_cast %get3A_100 : vector<32x32x192xf32> to vector<1024x192xf32>
    %get3A_102 = arith.constant 0 : index
    %get3A_103 = arith.constant 0 : index
    %get3A_104 = vector.load %arg2[%get3A_102, %get3A_103] : memref<192x2xf32, #tpu.memory_space<vmem>>, vector<192x2xf32>
    %dot_general3A_105 = arith.constant dense<0.000000e+00> : vector<1024x2xf32>
    %dot_general3A_106 = tpu.matmul %reshape3A_101, %get3A_104, %dot_general3A_105 {dimension_numbers = #tpu.dot_dimension_numbers<[1], [0], [0], [1], [0, 0, 1, 1], [], []>, transpose_lhs_hint = false} : vector<1024x192xf32>, vector<192x2xf32>, vector<1024x2xf32> -> vector<1024x2xf32>
    %transpose3A_107 = tpu.transpose %dot_general3A_106, [1, 0] : vector<1024x2xf32> -> vector<2x1024xf32>
    %slice3A_108 = vector.extract_strided_slice %transpose3A_107 {offsets = [0, 0], sizes = [1, 1024], strides = [1, 1]} : vector<2x1024xf32> to vector<1x1024xf32>
    %squeeze3A_109 = vector.shape_cast %slice3A_108 : vector<1x1024xf32> to vector<1024xf32>
    %get3A_110 = arith.constant 0 : index
    %get3A_111 = vector.load %arg3[%get3A_110] : memref<1xf32, #tpu.memory_space<vmem>>, vector<1xf32>
    %get3A_112 = vector.extract %get3A_111[0] : f32 from vector<1xf32>
    %add3A_113 = vector.broadcast %get3A_112 : f32 to vector<1024xf32>
    %add3A_114 = arith.addf %squeeze3A_109, %add3A_113 : vector<1024xf32>
    %swap3A_115 = arith.constant 3 : index
    %swap3A_116 = arith.constant 0 : index
    %swap3A_117 = vector.load %arg5[%swap3A_115, %swap3A_116] : memref<8x1024xf32, #tpu.memory_space<vmem>>, vector<1x1024xf32>
    %swap3A_118 = vector.shape_cast %swap3A_117 : vector<1x1024xf32> to vector<1024xf32>
    %swap3A_119 = vector.shape_cast %add3A_114 : vector<1024xf32> to vector<1x1024xf32>
    tpu.vector_store %arg5[%swap3A_115, %swap3A_116], %swap3A_119 {strides = array<i32>} : memref<8x1024xf32, #tpu.memory_space<vmem>>, vector<1x1024xf32>,
    %slice3A_120 = vector.extract_strided_slice %transpose3A_107 {offsets = [1, 0], sizes = [1, 1024], strides = [1, 1]} : vector<2x1024xf32> to vector<1x1024xf32>
    %squeeze3A_121 = vector.shape_cast %slice3A_120 : vector<1x1024xf32> to vector<1024xf32>
    %get3A_122 = arith.constant 0 : index
    %get3A_123 = vector.load %arg4[%get3A_122] : memref<1xf32, #tpu.memory_space<vmem>>, vector<1xf32>
    %get3A_124 = vector.extract %get3A_123[0] : f32 from vector<1xf32>
    %add3A_125 = vector.broadcast %get3A_124 : f32 to vector<1024xf32>
    %add3A_126 = arith.addf %squeeze3A_121, %add3A_125 : vector<1024xf32>
    %swap3A_127 = arith.constant 2 : index
    %swap3A_128 = arith.constant 0 : index
    %swap3A_129 = vector.load %arg6[%swap3A_127, %swap3A_128] : memref<8x1024xf32, #tpu.memory_space<vmem>>, vector<1x1024xf32>
    %swap3A_130 = vector.shape_cast %swap3A_129 : vector<1x1024xf32> to vector<1024xf32>
    %swap3A_131 = vector.shape_cast %add3A_126 : vector<1024xf32> to vector<1x1024xf32>
    tpu.vector_store %arg6[%swap3A_127, %swap3A_128], %swap3A_131 {strides = array<i32>} : memref<8x1024xf32, #tpu.memory_space<vmem>>, vector<1x1024xf32>,
    %get3A_132 = arith.constant 0 : index
    %get3A_133 = arith.constant 4 : index
    %get3A_134 = arith.constant 0 : index
    %get3A_135 = arith.constant 0 : index
    %get3A_136 = arith.constant 0 : index
    %get3A_137 = vector.load %arg1[%get3A_132, %get3A_133, %get3A_134, %get3A_135, %get3A_136] : memref<1x9x32x32x192xf32, #tpu.memory_space<vmem>>, vector<1x1x32x32x192xf32>
    %get3A_138 = vector.shape_cast %get3A_137 : vector<1x1x32x32x192xf32> to vector<32x32x192xf32>
    %reshape3A_139 = vector.shape_cast %get3A_138 : vector<32x32x192xf32> to vector<1024x192xf32>
    %get3A_140 = arith.constant 0 : index
    %get3A_141 = arith.constant 0 : index
    %get3A_142 = vector.load %arg2[%get3A_140, %get3A_141] : memref<192x2xf32, #tpu.memory_space<vmem>>, vector<192x2xf32>
    %dot_general3A_143 = arith.constant dense<0.000000e+00> : vector<1024x2xf32>
    %dot_general3A_144 = tpu.matmul %reshape3A_139, %get3A_142, %dot_general3A_143 {dimension_numbers = #tpu.dot_dimension_numbers<[1], [0], [0], [1], [0, 0, 1, 1], [], []>, transpose_lhs_hint = false} : vector<1024x192xf32>, vector<192x2xf32>, vector<1024x2xf32> -> vector<1024x2xf32>
    %transpose3A_145 = tpu.transpose %dot_general3A_144, [1, 0] : vector<1024x2xf32> -> vector<2x1024xf32>
    %slice3A_146 = vector.extract_strided_slice %transpose3A_145 {offsets = [0, 0], sizes = [1, 1024], strides = [1, 1]} : vector<2x1024xf32> to vector<1x1024xf32>
    %squeeze3A_147 = vector.shape_cast %slice3A_146 : vector<1x1024xf32> to vector<1024xf32>
    %get3A_148 = arith.constant 0 : index
    %get3A_149 = vector.load %arg3[%get3A_148] : memref<1xf32, #tpu.memory_space<vmem>>, vector<1xf32>
    %get3A_150 = vector.extract %get3A_149[0] : f32 from vector<1xf32>
    %add3A_151 = vector.broadcast %get3A_150 : f32 to vector<1024xf32>
    %add3A_152 = arith.addf %squeeze3A_147, %add3A_151 : vector<1024xf32>
    %swap3A_153 = arith.constant 4 : index
    %swap3A_154 = arith.constant 0 : index
    %swap3A_155 = vector.load %arg5[%swap3A_153, %swap3A_154] : memref<8x1024xf32, #tpu.memory_space<vmem>>, vector<1x1024xf32>
    %swap3A_156 = vector.shape_cast %swap3A_155 : vector<1x1024xf32> to vector<1024xf32>
    %swap3A_157 = vector.shape_cast %add3A_152 : vector<1024xf32> to vector<1x1024xf32>
    tpu.vector_store %arg5[%swap3A_153, %swap3A_154], %swap3A_157 {strides = array<i32>} : memref<8x1024xf32, #tpu.memory_space<vmem>>, vector<1x1024xf32>,
    %slice3A_158 = vector.extract_strided_slice %transpose3A_145 {offsets = [1, 0], sizes = [1, 1024], strides = [1, 1]} : vector<2x1024xf32> to vector<1x1024xf32>
    %squeeze3A_159 = vector.shape_cast %slice3A_158 : vector<1x1024xf32> to vector<1024xf32>
    %get3A_160 = arith.constant 0 : index
    %get3A_161 = vector.load %arg4[%get3A_160] : memref<1xf32, #tpu.memory_space<vmem>>, vector<1xf32>
    %get3A_162 = vector.extract %get3A_161[0] : f32 from vector<1xf32>
    %add3A_163 = vector.broadcast %get3A_162 : f32 to vector<1024xf32>
    %add3A_164 = arith.addf %squeeze3A_159, %add3A_163 : vector<1024xf32>
    %swap3A_165 = arith.constant 3 : index
    %swap3A_166 = arith.constant 0 : index
    %swap3A_167 = vector.load %arg6[%swap3A_165, %swap3A_166] : memref<8x1024xf32, #tpu.memory_space<vmem>>, vector<1x1024xf32>
    %swap3A_168 = vector.shape_cast %swap3A_167 : vector<1x1024xf32> to vector<1024xf32>
    %swap3A_169 = vector.shape_cast %add3A_164 : vector<1024xf32> to vector<1x1024xf32>
    tpu.vector_store %arg6[%swap3A_165, %swap3A_166], %swap3A_169 {strides = array<i32>} : memref<8x1024xf32, #tpu.memory_space<vmem>>, vector<1x1024xf32>,
    %get3A_170 = arith.constant 0 : index
    %get3A_171 = arith.constant 5 : index
    %get3A_172 = arith.constant 0 : index
    %get3A_173 = arith.constant 0 : index
    %get3A_174 = arith.constant 0 : index
    %get3A_175 = vector.load %arg1[%get3A_170, %get3A_171, %get3A_172, %get3A_173, %get3A_174] : memref<1x9x32x32x192xf32, #tpu.memory_space<vmem>>, vector<1x1x32x32x192xf32>
    %get3A_176 = vector.shape_cast %get3A_175 : vector<1x1x32x32x192xf32> to vector<32x32x192xf32>
    %reshape3A_177 = vector.shape_cast %get3A_176 : vector<32x32x192xf32> to vector<1024x192xf32>
    %get3A_178 = arith.constant 0 : index
    %get3A_179 = arith.constant 0 : index
    %get3A_180 = vector.load %arg2[%get3A_178, %get3A_179] : memref<192x2xf32, #tpu.memory_space<vmem>>, vector<192x2xf32>
    %dot_general3A_181 = arith.constant dense<0.000000e+00> : vector<1024x2xf32>
    %dot_general3A_182 = tpu.matmul %reshape3A_177, %get3A_180, %dot_general3A_181 {dimension_numbers = #tpu.dot_dimension_numbers<[1], [0], [0], [1], [0, 0, 1, 1], [], []>, transpose_lhs_hint = false} : vector<1024x192xf32>, vector<192x2xf32>, vector<1024x2xf32> -> vector<1024x2xf32>
    %transpose3A_183 = tpu.transpose %dot_general3A_182, [1, 0] : vector<1024x2xf32> -> vector<2x1024xf32>
    %slice3A_184 = vector.extract_strided_slice %transpose3A_183 {offsets = [0, 0], sizes = [1, 1024], strides = [1, 1]} : vector<2x1024xf32> to vector<1x1024xf32>
    %squeeze3A_185 = vector.shape_cast %slice3A_184 : vector<1x1024xf32> to vector<1024xf32>
    %get3A_186 = arith.constant 0 : index
    %get3A_187 = vector.load %arg3[%get3A_186] : memref<1xf32, #tpu.memory_space<vmem>>, vector<1xf32>
    %get3A_188 = vector.extract %get3A_187[0] : f32 from vector<1xf32>
    %add3A_189 = vector.broadcast %get3A_188 : f32 to vector<1024xf32>
    %add3A_190 = arith.addf %squeeze3A_185, %add3A_189 : vector<1024xf32>
    %swap3A_191 = arith.constant 5 : index
    %swap3A_192 = arith.constant 0 : index
    %swap3A_193 = vector.load %arg5[%swap3A_191, %swap3A_192] : memref<8x1024xf32, #tpu.memory_space<vmem>>, vector<1x1024xf32>
    %swap3A_194 = vector.shape_cast %swap3A_193 : vector<1x1024xf32> to vector<1024xf32>
    %swap3A_195 = vector.shape_cast %add3A_190 : vector<1024xf32> to vector<1x1024xf32>
    tpu.vector_store %arg5[%swap3A_191, %swap3A_192], %swap3A_195 {strides = array<i32>} : memref<8x1024xf32, #tpu.memory_space<vmem>>, vector<1x1024xf32>,
    %slice3A_196 = vector.extract_strided_slice %transpose3A_183 {offsets = [1, 0], sizes = [1, 1024], strides = [1, 1]} : vector<2x1024xf32> to vector<1x1024xf32>
    %squeeze3A_197 = vector.shape_cast %slice3A_196 : vector<1x1024xf32> to vector<1024xf32>
    %get3A_198 = arith.constant 0 : index
    %get3A_199 = vector.load %arg4[%get3A_198] : memref<1xf32, #tpu.memory_space<vmem>>, vector<1xf32>
    %get3A_200 = vector.extract %get3A_199[0] : f32 from vector<1xf32>
    %add3A_201 = vector.broadcast %get3A_200 : f32 to vector<1024xf32>
    %add3A_202 = arith.addf %squeeze3A_197, %add3A_201 : vector<1024xf32>
    %swap3A_203 = arith.constant 4 : index
    %swap3A_204 = arith.constant 0 : index
    %swap3A_205 = vector.load %arg6[%swap3A_203, %swap3A_204] : memref<8x1024xf32, #tpu.memory_space<vmem>>, vector<1x1024xf32>
    %swap3A_206 = vector.shape_cast %swap3A_205 : vector<1x1024xf32> to vector<1024xf32>
    %swap3A_207 = vector.shape_cast %add3A_202 : vector<1024xf32> to vector<1x1024xf32>
    tpu.vector_store %arg6[%swap3A_203, %swap3A_204], %swap3A_207 {strides = array<i32>} : memref<8x1024xf32, #tpu.memory_space<vmem>>, vector<1x1024xf32>,
    %get3A_208 = arith.constant 0 : index
    %get3A_209 = arith.constant 6 : index
    %get3A_210 = arith.constant 0 : index
    %get3A_211 = arith.constant 0 : index
    %get3A_212 = arith.constant 0 : index
    %get3A_213 = vector.load %arg1[%get3A_208, %get3A_209, %get3A_210, %get3A_211, %get3A_212] : memref<1x9x32x32x192xf32, #tpu.memory_space<vmem>>, vector<1x1x32x32x192xf32>
    %get3A_214 = vector.shape_cast %get3A_213 : vector<1x1x32x32x192xf32> to vector<32x32x192xf32>
    %reshape3A_215 = vector.shape_cast %get3A_214 : vector<32x32x192xf32> to vector<1024x192xf32>
    %get3A_216 = arith.constant 0 : index
    %get3A_217 = arith.constant 0 : index
    %get3A_218 = vector.load %arg2[%get3A_216, %get3A_217] : memref<192x2xf32, #tpu.memory_space<vmem>>, vector<192x2xf32>
    %dot_general3A_219 = arith.constant dense<0.000000e+00> : vector<1024x2xf32>
    %dot_general3A_220 = tpu.matmul %reshape3A_215, %get3A_218, %dot_general3A_219 {dimension_numbers = #tpu.dot_dimension_numbers<[1], [0], [0], [1], [0, 0, 1, 1], [], []>, transpose_lhs_hint = false} : vector<1024x192xf32>, vector<192x2xf32>, vector<1024x2xf32> -> vector<1024x2xf32>
    %transpose3A_221 = tpu.transpose %dot_general3A_220, [1, 0] : vector<1024x2xf32> -> vector<2x1024xf32>
    %slice3A_222 = vector.extract_strided_slice %transpose3A_221 {offsets = [0, 0], sizes = [1, 1024], strides = [1, 1]} : vector<2x1024xf32> to vector<1x1024xf32>
    %squeeze3A_223 = vector.shape_cast %slice3A_222 : vector<1x1024xf32> to vector<1024xf32>
    %get3A_224 = arith.constant 0 : index
    %get3A_225 = vector.load %arg3[%get3A_224] : memref<1xf32, #tpu.memory_space<vmem>>, vector<1xf32>
    %get3A_226 = vector.extract %get3A_225[0] : f32 from vector<1xf32>
    %add3A_227 = vector.broadcast %get3A_226 : f32 to vector<1024xf32>
    %add3A_228 = arith.addf %squeeze3A_223, %add3A_227 : vector<1024xf32>
    %swap3A_229 = arith.constant 6 : index
    %swap3A_230 = arith.constant 0 : index
    %swap3A_231 = vector.load %arg5[%swap3A_229, %swap3A_230] : memref<8x1024xf32, #tpu.memory_space<vmem>>, vector<1x1024xf32>
    %swap3A_232 = vector.shape_cast %swap3A_231 : vector<1x1024xf32> to vector<1024xf32>
    %swap3A_233 = vector.shape_cast %add3A_228 : vector<1024xf32> to vector<1x1024xf32>
    tpu.vector_store %arg5[%swap3A_229, %swap3A_230], %swap3A_233 {strides = array<i32>} : memref<8x1024xf32, #tpu.memory_space<vmem>>, vector<1x1024xf32>,
    %slice3A_234 = vector.extract_strided_slice %transpose3A_221 {offsets = [1, 0], sizes = [1, 1024], strides = [1, 1]} : vector<2x1024xf32> to vector<1x1024xf32>
    %squeeze3A_235 = vector.shape_cast %slice3A_234 : vector<1x1024xf32> to vector<1024xf32>
    %get3A_236 = arith.constant 0 : index
    %get3A_237 = vector.load %arg4[%get3A_236] : memref<1xf32, #tpu.memory_space<vmem>>, vector<1xf32>
    %get3A_238 = vector.extract %get3A_237[0] : f32 from vector<1xf32>
    %add3A_239 = vector.broadcast %get3A_238 : f32 to vector<1024xf32>
    %add3A_240 = arith.addf %squeeze3A_235, %add3A_239 : vector<1024xf32>
    %swap3A_241 = arith.constant 5 : index
    %swap3A_242 = arith.constant 0 : index
    %swap3A_243 = vector.load %arg6[%swap3A_241, %swap3A_242] : memref<8x1024xf32, #tpu.memory_space<vmem>>, vector<1x1024xf32>
    %swap3A_244 = vector.shape_cast %swap3A_243 : vector<1x1024xf32> to vector<1024xf32>
    %swap3A_245 = vector.shape_cast %add3A_240 : vector<1024xf32> to vector<1x1024xf32>
    tpu.vector_store %arg6[%swap3A_241, %swap3A_242], %swap3A_245 {strides = array<i32>} : memref<8x1024xf32, #tpu.memory_space<vmem>>, vector<1x1024xf32>,
    %get3A_246 = arith.constant 0 : index
    %get3A_247 = arith.constant 7 : index
    %get3A_248 = arith.constant 0 : index
    %get3A_249 = arith.constant 0 : index
    %get3A_250 = arith.constant 0 : index
    %get3A_251 = vector.load %arg1[%get3A_246, %get3A_247, %get3A_248, %get3A_249, %get3A_250] : memref<1x9x32x32x192xf32, #tpu.memory_space<vmem>>, vector<1x1x32x32x192xf32>
    %get3A_252 = vector.shape_cast %get3A_251 : vector<1x1x32x32x192xf32> to vector<32x32x192xf32>
    %reshape3A_253 = vector.shape_cast %get3A_252 : vector<32x32x192xf32> to vector<1024x192xf32>
    %get3A_254 = arith.constant 0 : index
    %get3A_255 = arith.constant 0 : index
    %get3A_256 = vector.load %arg2[%get3A_254, %get3A_255] : memref<192x2xf32, #tpu.memory_space<vmem>>, vector<192x2xf32>
    %dot_general3A_257 = arith.constant dense<0.000000e+00> : vector<1024x2xf32>
    %dot_general3A_258 = tpu.matmul %reshape3A_253, %get3A_256, %dot_general3A_257 {dimension_numbers = #tpu.dot_dimension_numbers<[1], [0], [0], [1], [0, 0, 1, 1], [], []>, transpose_lhs_hint = false} : vector<1024x192xf32>, vector<192x2xf32>, vector<1024x2xf32> -> vector<1024x2xf32>
    %transpose3A_259 = tpu.transpose %dot_general3A_258, [1, 0] : vector<1024x2xf32> -> vector<2x1024xf32>
    %slice3A_260 = vector.extract_strided_slice %transpose3A_259 {offsets = [0, 0], sizes = [1, 1024], strides = [1, 1]} : vector<2x1024xf32> to vector<1x1024xf32>
    %squeeze3A_261 = vector.shape_cast %slice3A_260 : vector<1x1024xf32> to vector<1024xf32>
    %get3A_262 = arith.constant 0 : index
    %get3A_263 = vector.load %arg3[%get3A_262] : memref<1xf32, #tpu.memory_space<vmem>>, vector<1xf32>
    %get3A_264 = vector.extract %get3A_263[0] : f32 from vector<1xf32>
    %add3A_265 = vector.broadcast %get3A_264 : f32 to vector<1024xf32>
    %add3A_266 = arith.addf %squeeze3A_261, %add3A_265 : vector<1024xf32>
    %swap3A_267 = arith.constant 7 : index
    %swap3A_268 = arith.constant 0 : index
    %swap3A_269 = vector.load %arg5[%swap3A_267, %swap3A_268] : memref<8x1024xf32, #tpu.memory_space<vmem>>, vector<1x1024xf32>
    %swap3A_270 = vector.shape_cast %swap3A_269 : vector<1x1024xf32> to vector<1024xf32>
    %swap3A_271 = vector.shape_cast %add3A_266 : vector<1024xf32> to vector<1x1024xf32>
    tpu.vector_store %arg5[%swap3A_267, %swap3A_268], %swap3A_271 {strides = array<i32>} : memref<8x1024xf32, #tpu.memory_space<vmem>>, vector<1x1024xf32>,
    %slice3A_272 = vector.extract_strided_slice %transpose3A_259 {offsets = [1, 0], sizes = [1, 1024], strides = [1, 1]} : vector<2x1024xf32> to vector<1x1024xf32>
    %squeeze3A_273 = vector.shape_cast %slice3A_272 : vector<1x1024xf32> to vector<1024xf32>
    %get3A_274 = arith.constant 0 : index
    %get3A_275 = vector.load %arg4[%get3A_274] : memref<1xf32, #tpu.memory_space<vmem>>, vector<1xf32>
    %get3A_276 = vector.extract %get3A_275[0] : f32 from vector<1xf32>
    %add3A_277 = vector.broadcast %get3A_276 : f32 to vector<1024xf32>
    %add3A_278 = arith.addf %squeeze3A_273, %add3A_277 : vector<1024xf32>
    %swap3A_279 = arith.constant 6 : index
    %swap3A_280 = arith.constant 0 : index
    %swap3A_281 = vector.load %arg6[%swap3A_279, %swap3A_280] : memref<8x1024xf32, #tpu.memory_space<vmem>>, vector<1x1024xf32>
    %swap3A_282 = vector.shape_cast %swap3A_281 : vector<1x1024xf32> to vector<1024xf32>
    %swap3A_283 = vector.shape_cast %add3A_278 : vector<1024xf32> to vector<1x1024xf32>
    tpu.vector_store %arg6[%swap3A_279, %swap3A_280], %swap3A_283 {strides = array<i32>} : memref<8x1024xf32, #tpu.memory_space<vmem>>, vector<1x1024xf32>,
    %get3A_284 = arith.constant 0 : index
    %get3A_285 = arith.constant 8 : index
    %get3A_286 = arith.constant 0 : index
    %get3A_287 = arith.constant 0 : index
    %get3A_288 = arith.constant 0 : index
    %get3A_289 = vector.load %arg1[%get3A_284, %get3A_285, %get3A_286, %get3A_287, %get3A_288] : memref<1x9x32x32x192xf32, #tpu.memory_space<vmem>>, vector<1x1x32x32x192xf32>
    %get3A_290 = vector.shape_cast %get3A_289 : vector<1x1x32x32x192xf32> to vector<32x32x192xf32>
    %reshape3A_291 = vector.shape_cast %get3A_290 : vector<32x32x192xf32> to vector<1024x192xf32>
    %get3A_292 = arith.constant 0 : index
    %get3A_293 = arith.constant 0 : index
    %get3A_294 = vector.load %arg2[%get3A_292, %get3A_293] : memref<192x2xf32, #tpu.memory_space<vmem>>, vector<192x2xf32>
    %dot_general3A_295 = arith.constant dense<0.000000e+00> : vector<1024x2xf32>
    %dot_general3A_296 = tpu.matmul %reshape3A_291, %get3A_294, %dot_general3A_295 {dimension_numbers = #tpu.dot_dimension_numbers<[1], [0], [0], [1], [0, 0, 1, 1], [], []>, transpose_lhs_hint = false} : vector<1024x192xf32>, vector<192x2xf32>, vector<1024x2xf32> -> vector<1024x2xf32>
    %transpose3A_297 = tpu.transpose %dot_general3A_296, [1, 0] : vector<1024x2xf32> -> vector<2x1024xf32>
    %slice3A_298 = vector.extract_strided_slice %transpose3A_297 {offsets = [1, 0], sizes = [1, 1024], strides = [1, 1]} : vector<2x1024xf32> to vector<1x1024xf32>
    %squeeze3A_299 = vector.shape_cast %slice3A_298 : vector<1x1024xf32> to vector<1024xf32>
    %get3A_300 = arith.constant 0 : index
    %get3A_301 = vector.load %arg4[%get3A_300] : memref<1xf32, #tpu.memory_space<vmem>>, vector<1xf32>
    %get3A_302 = vector.extract %get3A_301[0] : f32 from vector<1xf32>
    %add3A_303 = vector.broadcast %get3A_302 : f32 to vector<1024xf32>
    %add3A_304 = arith.addf %squeeze3A_299, %add3A_303 : vector<1024xf32>
    %swap3A_305 = arith.constant 7 : index
    %swap3A_306 = arith.constant 0 : index
    %swap3A_307 = vector.load %arg6[%swap3A_305, %swap3A_306] : memref<8x1024xf32, #tpu.memory_space<vmem>>, vector<1x1024xf32>
    %swap3A_308 = vector.shape_cast %swap3A_307 : vector<1x1024xf32> to vector<1024xf32>
    %swap3A_309 = vector.shape_cast %add3A_304 : vector<1024xf32> to vector<1x1024xf32>
    tpu.vector_store %arg6[%swap3A_305, %swap3A_306], %swap3A_309 {strides = array<i32>} : memref<8x1024xf32, #tpu.memory_space<vmem>>, vector<1x1024xf32>,
    %get3A_310 = arith.constant 0 : index
    %get3A_311 = arith.constant 0 : index
    %get3A_312 = vector.load %arg5[%get3A_310, %get3A_311] : memref<8x1024xf32, #tpu.memory_space<vmem>>, vector<1x1024xf32>
    %get3A_313 = arith.constant 0 : index
    %get3A_314 = arith.constant 0 : index
    %get3A_315 = vector.load %arg6[%get3A_313, %get3A_314] : memref<8x1024xf32, #tpu.memory_space<vmem>>, vector<1x1024xf32>
    %transpose3A_316 = tpu.transpose %get3A_312, [1, 0] : vector<1x1024xf32> -> vector<1024x1xf32>
    %reduce_max3A = vector.shape_cast %get3A_315 : vector<1x1024xf32> to vector<1x1x1024xf32>
    %reduce_max3A_317 = arith.constant dense<0xFF800000> : vector<1xf32>
    %reduce_max3A_318 = vector.multi_reduction <maximumf>, %reduce_max3A, %reduce_max3A_317 [1, 2] : vector<1x1x1024xf32> to vector<1xf32>
    %reduce_max3A_319 = vector.shape_cast %reduce_max3A_318 : vector<1xf32> to vector<1x1x1xf32>
    %reduce_max3A_320 = vector.extract %reduce_max3A_319[0, 0, 0] : f32 from vector<1x1x1xf32>
    %reduce_min3A = vector.shape_cast %get3A_315 : vector<1x1024xf32> to vector<1x1x1024xf32>
    %reduce_min3A_321 = arith.constant dense<0x7F800000> : vector<1xf32>
    %reduce_min3A_322 = vector.multi_reduction <minimumf>, %reduce_min3A, %reduce_min3A_321 [1, 2] : vector<1x1x1024xf32> to vector<1xf32>
    %reduce_min3A_323 = vector.shape_cast %reduce_min3A_322 : vector<1xf32> to vector<1x1x1xf32>
    %reduce_min3A_324 = vector.extract %reduce_min3A_323[0, 0, 0] : f32 from vector<1x1x1xf32>
    %gt3A = arith.constant 0.000000e+00 : f32
    %gt3A_325 = vector.broadcast %gt3A : f32 to vector<1024x1xf32>
    %gt3A_326 = arith.cmpf ogt, %transpose3A_316, %gt3A_325 : vector<1024x1xf32>
    %mul3A = vector.broadcast %reduce_max3A_320 : f32 to vector<1024x1xf32>
    %mul3A_327 = arith.mulf %transpose3A_316, %mul3A : vector<1024x1xf32>
    %mul3A_328 = vector.broadcast %reduce_min3A_324 : f32 to vector<1024x1xf32>
    %mul3A_329 = arith.mulf %transpose3A_316, %mul3A_328 : vector<1024x1xf32>
    %select_n3A = arith.select %gt3A_326, %mul3A_327, %mul3A_329 : vector<1024x1xi1>, vector<1024x1xf32>
    %mul3A_330 = vector.broadcast %transpose3A_316 : vector<1024x1xf32> to vector<1024x1024xf32>
    %mul3A_331 = vector.broadcast %get3A_315 : vector<1x1024xf32> to vector<1024x1024xf32>
    %mul3A_332 = arith.mulf %mul3A_330, %mul3A_331 : vector<1024x1024xf32>
    %sub3A = vector.broadcast %select_n3A : vector<1024x1xf32> to vector<1024x1024xf32>
    %sub3A_333 = arith.subf %mul3A_332, %sub3A : vector<1024x1024xf32>
    %exp3A = math.exp %sub3A_333 : vector<1024x1024xf32>
    %reduce_sum3A = arith.constant dense<0.000000e+00> : vector<1024xf32>
    %reduce_sum3A_334 = vector.multi_reduction <add>, %exp3A, %reduce_sum3A [1] : vector<1024x1024xf32> to vector<1024xf32>
    %broadcast_in_dim3A = vector.shape_cast %reduce_sum3A_334 : vector<1024xf32> to vector<1024x1xf32>
    %transpose3A_335 = tpu.transpose %broadcast_in_dim3A, [1, 0] : vector<1024x1xf32> -> vector<1x1024xf32>
    %swap3A_336 = arith.constant 0 : index
    %swap3A_337 = arith.constant 0 : index
    %swap3A_338 = vector.load %arg7[%swap3A_336, %swap3A_337] : memref<8x1024xf32, #tpu.memory_space<vmem>>, vector<1x1024xf32>
    tpu.vector_store %arg7[%swap3A_336, %swap3A_337], %transpose3A_335 {strides = array<i32>} : memref<8x1024xf32, #tpu.memory_space<vmem>>, vector<1x1024xf32>,
    %get3A_339 = arith.constant 1 : index
    %get3A_340 = arith.constant 0 : index
    %get3A_341 = vector.load %arg5[%get3A_339, %get3A_340] : memref<8x1024xf32, #tpu.memory_space<vmem>>, vector<1x1024xf32>
    %get3A_342 = arith.constant 1 : index
    %get3A_343 = arith.constant 0 : index
    %get3A_344 = vector.load %arg6[%get3A_342, %get3A_343] : memref<8x1024xf32, #tpu.memory_space<vmem>>, vector<1x1024xf32>
    %transpose3A_345 = tpu.transpose %get3A_341, [1, 0] : vector<1x1024xf32> -> vector<1024x1xf32>
    %reduce_max3A_346 = vector.shape_cast %get3A_344 : vector<1x1024xf32> to vector<1x1x1024xf32>
    %reduce_max3A_347 = arith.constant dense<0xFF800000> : vector<1xf32>
    %reduce_max3A_348 = vector.multi_reduction <maximumf>, %reduce_max3A_346, %reduce_max3A_347 [1, 2] : vector<1x1x1024xf32> to vector<1xf32>
    %reduce_max3A_349 = vector.shape_cast %reduce_max3A_348 : vector<1xf32> to vector<1x1x1xf32>
    %reduce_max3A_350 = vector.extract %reduce_max3A_349[0, 0, 0] : f32 from vector<1x1x1xf32>
    %reduce_min3A_351 = vector.shape_cast %get3A_344 : vector<1x1024xf32> to vector<1x1x1024xf32>
    %reduce_min3A_352 = arith.constant dense<0x7F800000> : vector<1xf32>
    %reduce_min3A_353 = vector.multi_reduction <minimumf>, %reduce_min3A_351, %reduce_min3A_352 [1, 2] : vector<1x1x1024xf32> to vector<1xf32>
    %reduce_min3A_354 = vector.shape_cast %reduce_min3A_353 : vector<1xf32> to vector<1x1x1xf32>
    %reduce_min3A_355 = vector.extract %reduce_min3A_354[0, 0, 0] : f32 from vector<1x1x1xf32>
    %gt3A_356 = arith.constant 0.000000e+00 : f32
    %gt3A_357 = vector.broadcast %gt3A_356 : f32 to vector<1024x1xf32>
    %gt3A_358 = arith.cmpf ogt, %transpose3A_345, %gt3A_357 : vector<1024x1xf32>
    %mul3A_359 = vector.broadcast %reduce_max3A_350 : f32 to vector<1024x1xf32>
    %mul3A_360 = arith.mulf %transpose3A_345, %mul3A_359 : vector<1024x1xf32>
    %mul3A_361 = vector.broadcast %reduce_min3A_355 : f32 to vector<1024x1xf32>
    %mul3A_362 = arith.mulf %transpose3A_345, %mul3A_361 : vector<1024x1xf32>
    %select_n3A_363 = arith.select %gt3A_358, %mul3A_360, %mul3A_362 : vector<1024x1xi1>, vector<1024x1xf32>
    %mul3A_364 = vector.broadcast %transpose3A_345 : vector<1024x1xf32> to vector<1024x1024xf32>
    %mul3A_365 = vector.broadcast %get3A_344 : vector<1x1024xf32> to vector<1024x1024xf32>
    %mul3A_366 = arith.mulf %mul3A_364, %mul3A_365 : vector<1024x1024xf32>
    %sub3A_367 = vector.broadcast %select_n3A_363 : vector<1024x1xf32> to vector<1024x1024xf32>
    %sub3A_368 = arith.subf %mul3A_366, %sub3A_367 : vector<1024x1024xf32>
    %exp3A_369 = math.exp %sub3A_368 : vector<1024x1024xf32>
    %reduce_sum3A_370 = arith.constant dense<0.000000e+00> : vector<1024xf32>
    %reduce_sum3A_371 = vector.multi_reduction <add>, %exp3A_369, %reduce_sum3A_370 [1] : vector<1024x1024xf32> to vector<1024xf32>
    %broadcast_in_dim3A_372 = vector.shape_cast %reduce_sum3A_371 : vector<1024xf32> to vector<1024x1xf32>
    %transpose3A_373 = tpu.transpose %broadcast_in_dim3A_372, [1, 0] : vector<1024x1xf32> -> vector<1x1024xf32>
    %swap3A_374 = arith.constant 1 : index
    %swap3A_375 = arith.constant 0 : index
    %swap3A_376 = vector.load %arg7[%swap3A_374, %swap3A_375] : memref<8x1024xf32, #tpu.memory_space<vmem>>, vector<1x1024xf32>
    tpu.vector_store %arg7[%swap3A_374, %swap3A_375], %transpose3A_373 {strides = array<i32>} : memref<8x1024xf32, #tpu.memory_space<vmem>>, vector<1x1024xf32>,
    %get3A_377 = arith.constant 2 : index
    %get3A_378 = arith.constant 0 : index
    %get3A_379 = vector.load %arg5[%get3A_377, %get3A_378] : memref<8x1024xf32, #tpu.memory_space<vmem>>, vector<1x1024xf32>
    %get3A_380 = arith.constant 2 : index
    %get3A_381 = arith.constant 0 : index
    %get3A_382 = vector.load %arg6[%get3A_380, %get3A_381] : memref<8x1024xf32, #tpu.memory_space<vmem>>, vector<1x1024xf32>
    %transpose3A_383 = tpu.transpose %get3A_379, [1, 0] : vector<1x1024xf32> -> vector<1024x1xf32>
    %reduce_max3A_384 = vector.shape_cast %get3A_382 : vector<1x1024xf32> to vector<1x1x1024xf32>
    %reduce_max3A_385 = arith.constant dense<0xFF800000> : vector<1xf32>
    %reduce_max3A_386 = vector.multi_reduction <maximumf>, %reduce_max3A_384, %reduce_max3A_385 [1, 2] : vector<1x1x1024xf32> to vector<1xf32>
    %reduce_max3A_387 = vector.shape_cast %reduce_max3A_386 : vector<1xf32> to vector<1x1x1xf32>
    %reduce_max3A_388 = vector.extract %reduce_max3A_387[0, 0, 0] : f32 from vector<1x1x1xf32>
    %reduce_min3A_389 = vector.shape_cast %get3A_382 : vector<1x1024xf32> to vector<1x1x1024xf32>
    %reduce_min3A_390 = arith.constant dense<0x7F800000> : vector<1xf32>
    %reduce_min3A_391 = vector.multi_reduction <minimumf>, %reduce_min3A_389, %reduce_min3A_390 [1, 2] : vector<1x1x1024xf32> to vector<1xf32>
    %reduce_min3A_392 = vector.shape_cast %reduce_min3A_391 : vector<1xf32> to vector<1x1x1xf32>
    %reduce_min3A_393 = vector.extract %reduce_min3A_392[0, 0, 0] : f32 from vector<1x1x1xf32>
    %gt3A_394 = arith.constant 0.000000e+00 : f32
    %gt3A_395 = vector.broadcast %gt3A_394 : f32 to vector<1024x1xf32>
    %gt3A_396 = arith.cmpf ogt, %transpose3A_383, %gt3A_395 : vector<1024x1xf32>
    %mul3A_397 = vector.broadcast %reduce_max3A_388 : f32 to vector<1024x1xf32>
    %mul3A_398 = arith.mulf %transpose3A_383, %mul3A_397 : vector<1024x1xf32>
    %mul3A_399 = vector.broadcast %reduce_min3A_393 : f32 to vector<1024x1xf32>
    %mul3A_400 = arith.mulf %transpose3A_383, %mul3A_399 : vector<1024x1xf32>
    %select_n3A_401 = arith.select %gt3A_396, %mul3A_398, %mul3A_400 : vector<1024x1xi1>, vector<1024x1xf32>
    %mul3A_402 = vector.broadcast %transpose3A_383 : vector<1024x1xf32> to vector<1024x1024xf32>
    %mul3A_403 = vector.broadcast %get3A_382 : vector<1x1024xf32> to vector<1024x1024xf32>
    %mul3A_404 = arith.mulf %mul3A_402, %mul3A_403 : vector<1024x1024xf32>
    %sub3A_405 = vector.broadcast %select_n3A_401 : vector<1024x1xf32> to vector<1024x1024xf32>
    %sub3A_406 = arith.subf %mul3A_404, %sub3A_405 : vector<1024x1024xf32>
    %exp3A_407 = math.exp %sub3A_406 : vector<1024x1024xf32>
    %reduce_sum3A_408 = arith.constant dense<0.000000e+00> : vector<1024xf32>
    %reduce_sum3A_409 = vector.multi_reduction <add>, %exp3A_407, %reduce_sum3A_408 [1] : vector<1024x1024xf32> to vector<1024xf32>
    %broadcast_in_dim3A_410 = vector.shape_cast %reduce_sum3A_409 : vector<1024xf32> to vector<1024x1xf32>
    %transpose3A_411 = tpu.transpose %broadcast_in_dim3A_410, [1, 0] : vector<1024x1xf32> -> vector<1x1024xf32>
    %swap3A_412 = arith.constant 2 : index
    %swap3A_413 = arith.constant 0 : index
    %swap3A_414 = vector.load %arg7[%swap3A_412, %swap3A_413] : memref<8x1024xf32, #tpu.memory_space<vmem>>, vector<1x1024xf32>
    tpu.vector_store %arg7[%swap3A_412, %swap3A_413], %transpose3A_411 {strides = array<i32>} : memref<8x1024xf32, #tpu.memory_space<vmem>>, vector<1x1024xf32>,
    %get3A_415 = arith.constant 3 : index
    %get3A_416 = arith.constant 0 : index
    %get3A_417 = vector.load %arg5[%get3A_415, %get3A_416] : memref<8x1024xf32, #tpu.memory_space<vmem>>, vector<1x1024xf32>
    %get3A_418 = arith.constant 3 : index
    %get3A_419 = arith.constant 0 : index
    %get3A_420 = vector.load %arg6[%get3A_418, %get3A_419] : memref<8x1024xf32, #tpu.memory_space<vmem>>, vector<1x1024xf32>
    %transpose3A_421 = tpu.transpose %get3A_417, [1, 0] : vector<1x1024xf32> -> vector<1024x1xf32>
    %reduce_max3A_422 = vector.shape_cast %get3A_420 : vector<1x1024xf32> to vector<1x1x1024xf32>
    %reduce_max3A_423 = arith.constant dense<0xFF800000> : vector<1xf32>
    %reduce_max3A_424 = vector.multi_reduction <maximumf>, %reduce_max3A_422, %reduce_max3A_423 [1, 2] : vector<1x1x1024xf32> to vector<1xf32>
    %reduce_max3A_425 = vector.shape_cast %reduce_max3A_424 : vector<1xf32> to vector<1x1x1xf32>
    %reduce_max3A_426 = vector.extract %reduce_max3A_425[0, 0, 0] : f32 from vector<1x1x1xf32>
    %reduce_min3A_427 = vector.shape_cast %get3A_420 : vector<1x1024xf32> to vector<1x1x1024xf32>
    %reduce_min3A_428 = arith.constant dense<0x7F800000> : vector<1xf32>
    %reduce_min3A_429 = vector.multi_reduction <minimumf>, %reduce_min3A_427, %reduce_min3A_428 [1, 2] : vector<1x1x1024xf32> to vector<1xf32>
    %reduce_min3A_430 = vector.shape_cast %reduce_min3A_429 : vector<1xf32> to vector<1x1x1xf32>
    %reduce_min3A_431 = vector.extract %reduce_min3A_430[0, 0, 0] : f32 from vector<1x1x1xf32>
    %gt3A_432 = arith.constant 0.000000e+00 : f32
    %gt3A_433 = vector.broadcast %gt3A_432 : f32 to vector<1024x1xf32>
    %gt3A_434 = arith.cmpf ogt, %transpose3A_421, %gt3A_433 : vector<1024x1xf32>
    %mul3A_435 = vector.broadcast %reduce_max3A_426 : f32 to vector<1024x1xf32>
    %mul3A_436 = arith.mulf %transpose3A_421, %mul3A_435 : vector<1024x1xf32>
    %mul3A_437 = vector.broadcast %reduce_min3A_431 : f32 to vector<1024x1xf32>
    %mul3A_438 = arith.mulf %transpose3A_421, %mul3A_437 : vector<1024x1xf32>
    %select_n3A_439 = arith.select %gt3A_434, %mul3A_436, %mul3A_438 : vector<1024x1xi1>, vector<1024x1xf32>
    %mul3A_440 = vector.broadcast %transpose3A_421 : vector<1024x1xf32> to vector<1024x1024xf32>
    %mul3A_441 = vector.broadcast %get3A_420 : vector<1x1024xf32> to vector<1024x1024xf32>
    %mul3A_442 = arith.mulf %mul3A_440, %mul3A_441 : vector<1024x1024xf32>
    %sub3A_443 = vector.broadcast %select_n3A_439 : vector<1024x1xf32> to vector<1024x1024xf32>
    %sub3A_444 = arith.subf %mul3A_442, %sub3A_443 : vector<1024x1024xf32>
    %exp3A_445 = math.exp %sub3A_444 : vector<1024x1024xf32>
    %reduce_sum3A_446 = arith.constant dense<0.000000e+00> : vector<1024xf32>
    %reduce_sum3A_447 = vector.multi_reduction <add>, %exp3A_445, %reduce_sum3A_446 [1] : vector<1024x1024xf32> to vector<1024xf32>
    %broadcast_in_dim3A_448 = vector.shape_cast %reduce_sum3A_447 : vector<1024xf32> to vector<1024x1xf32>
    %transpose3A_449 = tpu.transpose %broadcast_in_dim3A_448, [1, 0] : vector<1024x1xf32> -> vector<1x1024xf32>
    %swap3A_450 = arith.constant 3 : index
    %swap3A_451 = arith.constant 0 : index
    %swap3A_452 = vector.load %arg7[%swap3A_450, %swap3A_451] : memref<8x1024xf32, #tpu.memory_space<vmem>>, vector<1x1024xf32>
    tpu.vector_store %arg7[%swap3A_450, %swap3A_451], %transpose3A_449 {strides = array<i32>} : memref<8x1024xf32, #tpu.memory_space<vmem>>, vector<1x1024xf32>,
    %get3A_453 = arith.constant 4 : index
    %get3A_454 = arith.constant 0 : index
    %get3A_455 = vector.load %arg5[%get3A_453, %get3A_454] : memref<8x1024xf32, #tpu.memory_space<vmem>>, vector<1x1024xf32>
    %get3A_456 = arith.constant 4 : index
    %get3A_457 = arith.constant 0 : index
    %get3A_458 = vector.load %arg6[%get3A_456, %get3A_457] : memref<8x1024xf32, #tpu.memory_space<vmem>>, vector<1x1024xf32>
    %transpose3A_459 = tpu.transpose %get3A_455, [1, 0] : vector<1x1024xf32> -> vector<1024x1xf32>
    %reduce_max3A_460 = vector.shape_cast %get3A_458 : vector<1x1024xf32> to vector<1x1x1024xf32>
    %reduce_max3A_461 = arith.constant dense<0xFF800000> : vector<1xf32>
    %reduce_max3A_462 = vector.multi_reduction <maximumf>, %reduce_max3A_460, %reduce_max3A_461 [1, 2] : vector<1x1x1024xf32> to vector<1xf32>
    %reduce_max3A_463 = vector.shape_cast %reduce_max3A_462 : vector<1xf32> to vector<1x1x1xf32>
    %reduce_max3A_464 = vector.extract %reduce_max3A_463[0, 0, 0] : f32 from vector<1x1x1xf32>
    %reduce_min3A_465 = vector.shape_cast %get3A_458 : vector<1x1024xf32> to vector<1x1x1024xf32>
    %reduce_min3A_466 = arith.constant dense<0x7F800000> : vector<1xf32>
    %reduce_min3A_467 = vector.multi_reduction <minimumf>, %reduce_min3A_465, %reduce_min3A_466 [1, 2] : vector<1x1x1024xf32> to vector<1xf32>
    %reduce_min3A_468 = vector.shape_cast %reduce_min3A_467 : vector<1xf32> to vector<1x1x1xf32>
    %reduce_min3A_469 = vector.extract %reduce_min3A_468[0, 0, 0] : f32 from vector<1x1x1xf32>
    %gt3A_470 = arith.constant 0.000000e+00 : f32
    %gt3A_471 = vector.broadcast %gt3A_470 : f32 to vector<1024x1xf32>
    %gt3A_472 = arith.cmpf ogt, %transpose3A_459, %gt3A_471 : vector<1024x1xf32>
    %mul3A_473 = vector.broadcast %reduce_max3A_464 : f32 to vector<1024x1xf32>
    %mul3A_474 = arith.mulf %transpose3A_459, %mul3A_473 : vector<1024x1xf32>
    %mul3A_475 = vector.broadcast %reduce_min3A_469 : f32 to vector<1024x1xf32>
    %mul3A_476 = arith.mulf %transpose3A_459, %mul3A_475 : vector<1024x1xf32>
    %select_n3A_477 = arith.select %gt3A_472, %mul3A_474, %mul3A_476 : vector<1024x1xi1>, vector<1024x1xf32>
    %mul3A_478 = vector.broadcast %transpose3A_459 : vector<1024x1xf32> to vector<1024x1024xf32>
    %mul3A_479 = vector.broadcast %get3A_458 : vector<1x1024xf32> to vector<1024x1024xf32>
    %mul3A_480 = arith.mulf %mul3A_478, %mul3A_479 : vector<1024x1024xf32>
    %sub3A_481 = vector.broadcast %select_n3A_477 : vector<1024x1xf32> to vector<1024x1024xf32>
    %sub3A_482 = arith.subf %mul3A_480, %sub3A_481 : vector<1024x1024xf32>
    %exp3A_483 = math.exp %sub3A_482 : vector<1024x1024xf32>
    %reduce_sum3A_484 = arith.constant dense<0.000000e+00> : vector<1024xf32>
    %reduce_sum3A_485 = vector.multi_reduction <add>, %exp3A_483, %reduce_sum3A_484 [1] : vector<1024x1024xf32> to vector<1024xf32>
    %broadcast_in_dim3A_486 = vector.shape_cast %reduce_sum3A_485 : vector<1024xf32> to vector<1024x1xf32>
    %transpose3A_487 = tpu.transpose %broadcast_in_dim3A_486, [1, 0] : vector<1024x1xf32> -> vector<1x1024xf32>
    %swap3A_488 = arith.constant 4 : index
    %swap3A_489 = arith.constant 0 : index
    %swap3A_490 = vector.load %arg7[%swap3A_488, %swap3A_489] : memref<8x1024xf32, #tpu.memory_space<vmem>>, vector<1x1024xf32>
    tpu.vector_store %arg7[%swap3A_488, %swap3A_489], %transpose3A_487 {strides = array<i32>} : memref<8x1024xf32, #tpu.memory_space<vmem>>, vector<1x1024xf32>,
    %get3A_491 = arith.constant 5 : index
    %get3A_492 = arith.constant 0 : index
    %get3A_493 = vector.load %arg5[%get3A_491, %get3A_492] : memref<8x1024xf32, #tpu.memory_space<vmem>>, vector<1x1024xf32>
    %get3A_494 = arith.constant 5 : index
    %get3A_495 = arith.constant 0 : index
    %get3A_496 = vector.load %arg6[%get3A_494, %get3A_495] : memref<8x1024xf32, #tpu.memory_space<vmem>>, vector<1x1024xf32>
    %transpose3A_497 = tpu.transpose %get3A_493, [1, 0] : vector<1x1024xf32> -> vector<1024x1xf32>
    %reduce_max3A_498 = vector.shape_cast %get3A_496 : vector<1x1024xf32> to vector<1x1x1024xf32>
    %reduce_max3A_499 = arith.constant dense<0xFF800000> : vector<1xf32>
    %reduce_max3A_500 = vector.multi_reduction <maximumf>, %reduce_max3A_498, %reduce_max3A_499 [1, 2] : vector<1x1x1024xf32> to vector<1xf32>
    %reduce_max3A_501 = vector.shape_cast %reduce_max3A_500 : vector<1xf32> to vector<1x1x1xf32>
    %reduce_max3A_502 = vector.extract %reduce_max3A_501[0, 0, 0] : f32 from vector<1x1x1xf32>
    %reduce_min3A_503 = vector.shape_cast %get3A_496 : vector<1x1024xf32> to vector<1x1x1024xf32>
    %reduce_min3A_504 = arith.constant dense<0x7F800000> : vector<1xf32>
    %reduce_min3A_505 = vector.multi_reduction <minimumf>, %reduce_min3A_503, %reduce_min3A_504 [1, 2] : vector<1x1x1024xf32> to vector<1xf32>
    %reduce_min3A_506 = vector.shape_cast %reduce_min3A_505 : vector<1xf32> to vector<1x1x1xf32>
    %reduce_min3A_507 = vector.extract %reduce_min3A_506[0, 0, 0] : f32 from vector<1x1x1xf32>
    %gt3A_508 = arith.constant 0.000000e+00 : f32
    %gt3A_509 = vector.broadcast %gt3A_508 : f32 to vector<1024x1xf32>
    %gt3A_510 = arith.cmpf ogt, %transpose3A_497, %gt3A_509 : vector<1024x1xf32>
    %mul3A_511 = vector.broadcast %reduce_max3A_502 : f32 to vector<1024x1xf32>
    %mul3A_512 = arith.mulf %transpose3A_497, %mul3A_511 : vector<1024x1xf32>
    %mul3A_513 = vector.broadcast %reduce_min3A_507 : f32 to vector<1024x1xf32>
    %mul3A_514 = arith.mulf %transpose3A_497, %mul3A_513 : vector<1024x1xf32>
    %select_n3A_515 = arith.select %gt3A_510, %mul3A_512, %mul3A_514 : vector<1024x1xi1>, vector<1024x1xf32>
    %mul3A_516 = vector.broadcast %transpose3A_497 : vector<1024x1xf32> to vector<1024x1024xf32>
    %mul3A_517 = vector.broadcast %get3A_496 : vector<1x1024xf32> to vector<1024x1024xf32>
    %mul3A_518 = arith.mulf %mul3A_516, %mul3A_517 : vector<1024x1024xf32>
    %sub3A_519 = vector.broadcast %select_n3A_515 : vector<1024x1xf32> to vector<1024x1024xf32>
    %sub3A_520 = arith.subf %mul3A_518, %sub3A_519 : vector<1024x1024xf32>
    %exp3A_521 = math.exp %sub3A_520 : vector<1024x1024xf32>
    %reduce_sum3A_522 = arith.constant dense<0.000000e+00> : vector<1024xf32>
    %reduce_sum3A_523 = vector.multi_reduction <add>, %exp3A_521, %reduce_sum3A_522 [1] : vector<1024x1024xf32> to vector<1024xf32>
    %broadcast_in_dim3A_524 = vector.shape_cast %reduce_sum3A_523 : vector<1024xf32> to vector<1024x1xf32>
    %transpose3A_525 = tpu.transpose %broadcast_in_dim3A_524, [1, 0] : vector<1024x1xf32> -> vector<1x1024xf32>
    %swap3A_526 = arith.constant 5 : index
    %swap3A_527 = arith.constant 0 : index
    %swap3A_528 = vector.load %arg7[%swap3A_526, %swap3A_527] : memref<8x1024xf32, #tpu.memory_space<vmem>>, vector<1x1024xf32>
    tpu.vector_store %arg7[%swap3A_526, %swap3A_527], %transpose3A_525 {strides = array<i32>} : memref<8x1024xf32, #tpu.memory_space<vmem>>, vector<1x1024xf32>,
    %get3A_529 = arith.constant 6 : index
    %get3A_530 = arith.constant 0 : index
    %get3A_531 = vector.load %arg5[%get3A_529, %get3A_530] : memref<8x1024xf32, #tpu.memory_space<vmem>>, vector<1x1024xf32>
    %get3A_532 = arith.constant 6 : index
    %get3A_533 = arith.constant 0 : index
    %get3A_534 = vector.load %arg6[%get3A_532, %get3A_533] : memref<8x1024xf32, #tpu.memory_space<vmem>>, vector<1x1024xf32>
    %transpose3A_535 = tpu.transpose %get3A_531, [1, 0] : vector<1x1024xf32> -> vector<1024x1xf32>
    %reduce_max3A_536 = vector.shape_cast %get3A_534 : vector<1x1024xf32> to vector<1x1x1024xf32>
    %reduce_max3A_537 = arith.constant dense<0xFF800000> : vector<1xf32>
    %reduce_max3A_538 = vector.multi_reduction <maximumf>, %reduce_max3A_536, %reduce_max3A_537 [1, 2] : vector<1x1x1024xf32> to vector<1xf32>
    %reduce_max3A_539 = vector.shape_cast %reduce_max3A_538 : vector<1xf32> to vector<1x1x1xf32>
    %reduce_max3A_540 = vector.extract %reduce_max3A_539[0, 0, 0] : f32 from vector<1x1x1xf32>
    %reduce_min3A_541 = vector.shape_cast %get3A_534 : vector<1x1024xf32> to vector<1x1x1024xf32>
    %reduce_min3A_542 = arith.constant dense<0x7F800000> : vector<1xf32>
    %reduce_min3A_543 = vector.multi_reduction <minimumf>, %reduce_min3A_541, %reduce_min3A_542 [1, 2] : vector<1x1x1024xf32> to vector<1xf32>
    %reduce_min3A_544 = vector.shape_cast %reduce_min3A_543 : vector<1xf32> to vector<1x1x1xf32>
    %reduce_min3A_545 = vector.extract %reduce_min3A_544[0, 0, 0] : f32 from vector<1x1x1xf32>
    %gt3A_546 = arith.constant 0.000000e+00 : f32
    %gt3A_547 = vector.broadcast %gt3A_546 : f32 to vector<1024x1xf32>
    %gt3A_548 = arith.cmpf ogt, %transpose3A_535, %gt3A_547 : vector<1024x1xf32>
    %mul3A_549 = vector.broadcast %reduce_max3A_540 : f32 to vector<1024x1xf32>
    %mul3A_550 = arith.mulf %transpose3A_535, %mul3A_549 : vector<1024x1xf32>
    %mul3A_551 = vector.broadcast %reduce_min3A_545 : f32 to vector<1024x1xf32>
    %mul3A_552 = arith.mulf %transpose3A_535, %mul3A_551 : vector<1024x1xf32>
    %select_n3A_553 = arith.select %gt3A_548, %mul3A_550, %mul3A_552 : vector<1024x1xi1>, vector<1024x1xf32>
    %mul3A_554 = vector.broadcast %transpose3A_535 : vector<1024x1xf32> to vector<1024x1024xf32>
    %mul3A_555 = vector.broadcast %get3A_534 : vector<1x1024xf32> to vector<1024x1024xf32>
    %mul3A_556 = arith.mulf %mul3A_554, %mul3A_555 : vector<1024x1024xf32>
    %sub3A_557 = vector.broadcast %select_n3A_553 : vector<1024x1xf32> to vector<1024x1024xf32>
    %sub3A_558 = arith.subf %mul3A_556, %sub3A_557 : vector<1024x1024xf32>
    %exp3A_559 = math.exp %sub3A_558 : vector<1024x1024xf32>
    %reduce_sum3A_560 = arith.constant dense<0.000000e+00> : vector<1024xf32>
    %reduce_sum3A_561 = vector.multi_reduction <add>, %exp3A_559, %reduce_sum3A_560 [1] : vector<1024x1024xf32> to vector<1024xf32>
    %broadcast_in_dim3A_562 = vector.shape_cast %reduce_sum3A_561 : vector<1024xf32> to vector<1024x1xf32>
    %transpose3A_563 = tpu.transpose %broadcast_in_dim3A_562, [1, 0] : vector<1024x1xf32> -> vector<1x1024xf32>
    %swap3A_564 = arith.constant 6 : index
    %swap3A_565 = arith.constant 0 : index
    %swap3A_566 = vector.load %arg7[%swap3A_564, %swap3A_565] : memref<8x1024xf32, #tpu.memory_space<vmem>>, vector<1x1024xf32>
    tpu.vector_store %arg7[%swap3A_564, %swap3A_565], %transpose3A_563 {strides = array<i32>} : memref<8x1024xf32, #tpu.memory_space<vmem>>, vector<1x1024xf32>,
    %get3A_567 = arith.constant 7 : index
    %get3A_568 = arith.constant 0 : index
    %get3A_569 = vector.load %arg5[%get3A_567, %get3A_568] : memref<8x1024xf32, #tpu.memory_space<vmem>>, vector<1x1024xf32>
    %get3A_570 = arith.constant 7 : index
    %get3A_571 = arith.constant 0 : index
    %get3A_572 = vector.load %arg6[%get3A_570, %get3A_571] : memref<8x1024xf32, #tpu.memory_space<vmem>>, vector<1x1024xf32>
    %transpose3A_573 = tpu.transpose %get3A_569, [1, 0] : vector<1x1024xf32> -> vector<1024x1xf32>
    %reduce_max3A_574 = vector.shape_cast %get3A_572 : vector<1x1024xf32> to vector<1x1x1024xf32>
    %reduce_max3A_575 = arith.constant dense<0xFF800000> : vector<1xf32>
    %reduce_max3A_576 = vector.multi_reduction <maximumf>, %reduce_max3A_574, %reduce_max3A_575 [1, 2] : vector<1x1x1024xf32> to vector<1xf32>
    %reduce_max3A_577 = vector.shape_cast %reduce_max3A_576 : vector<1xf32> to vector<1x1x1xf32>
    %reduce_max3A_578 = vector.extract %reduce_max3A_577[0, 0, 0] : f32 from vector<1x1x1xf32>
    %reduce_min3A_579 = vector.shape_cast %get3A_572 : vector<1x1024xf32> to vector<1x1x1024xf32>
    %reduce_min3A_580 = arith.constant dense<0x7F800000> : vector<1xf32>
    %reduce_min3A_581 = vector.multi_reduction <minimumf>, %reduce_min3A_579, %reduce_min3A_580 [1, 2] : vector<1x1x1024xf32> to vector<1xf32>
    %reduce_min3A_582 = vector.shape_cast %reduce_min3A_581 : vector<1xf32> to vector<1x1x1xf32>
    %reduce_min3A_583 = vector.extract %reduce_min3A_582[0, 0, 0] : f32 from vector<1x1x1xf32>
    %gt3A_584 = arith.constant 0.000000e+00 : f32
    %gt3A_585 = vector.broadcast %gt3A_584 : f32 to vector<1024x1xf32>
    %gt3A_586 = arith.cmpf ogt, %transpose3A_573, %gt3A_585 : vector<1024x1xf32>
    %mul3A_587 = vector.broadcast %reduce_max3A_578 : f32 to vector<1024x1xf32>
    %mul3A_588 = arith.mulf %transpose3A_573, %mul3A_587 : vector<1024x1xf32>
    %mul3A_589 = vector.broadcast %reduce_min3A_583 : f32 to vector<1024x1xf32>
    %mul3A_590 = arith.mulf %transpose3A_573, %mul3A_589 : vector<1024x1xf32>
    %select_n3A_591 = arith.select %gt3A_586, %mul3A_588, %mul3A_590 : vector<1024x1xi1>, vector<1024x1xf32>
    %mul3A_592 = vector.broadcast %transpose3A_573 : vector<1024x1xf32> to vector<1024x1024xf32>
    %mul3A_593 = vector.broadcast %get3A_572 : vector<1x1024xf32> to vector<1024x1024xf32>
    %mul3A_594 = arith.mulf %mul3A_592, %mul3A_593 : vector<1024x1024xf32>
    %sub3A_595 = vector.broadcast %select_n3A_591 : vector<1024x1xf32> to vector<1024x1024xf32>
    %sub3A_596 = arith.subf %mul3A_594, %sub3A_595 : vector<1024x1024xf32>
    %exp3A_597 = math.exp %sub3A_596 : vector<1024x1024xf32>
    %reduce_sum3A_598 = arith.constant dense<0.000000e+00> : vector<1024xf32>
    %reduce_sum3A_599 = vector.multi_reduction <add>, %exp3A_597, %reduce_sum3A_598 [1] : vector<1024x1024xf32> to vector<1024xf32>
    %broadcast_in_dim3A_600 = vector.shape_cast %reduce_sum3A_599 : vector<1024xf32> to vector<1024x1xf32>
    %transpose3A_601 = tpu.transpose %broadcast_in_dim3A_600, [1, 0] : vector<1024x1xf32> -> vector<1x1024xf32>
    %swap3A_602 = arith.constant 7 : index
    %swap3A_603 = arith.constant 0 : index
    %swap3A_604 = vector.load %arg7[%swap3A_602, %swap3A_603] : memref<8x1024xf32, #tpu.memory_space<vmem>>, vector<1x1024xf32>
    tpu.vector_store %arg7[%swap3A_602, %swap3A_603], %transpose3A_601 {strides = array<i32>} : memref<8x1024xf32, #tpu.memory_space<vmem>>, vector<1x1024xf32>,
    return
  }
  func.func @transform_0(%arg0: i32) -> (i32, i32, i32, i32, i32) {
    %c0_i32 = arith.constant 0 : i32
    %c0_i32_0 = arith.constant 0 : i32
    %c0_i32_1 = arith.constant 0 : i32
    %c0_i32_2 = arith.constant 0 : i32
    %c0_i32_3 = arith.constant 0 : i32
    return %arg0, %c0_i32, %c0_i32_0, %c0_i32_1, %c0_i32_2 : i32, i32, i32, i32, i32
  }
  func.func @transform_1(%arg0: i32) -> (i32, i32) {
    %c0_i32 = arith.constant 0 : i32
    %c0_i32_0 = arith.constant 0 : i32
    %c0_i32_1 = arith.constant 0 : i32
    return %c0_i32, %c0_i32_0 : i32, i32
  }
  func.func @transform_2(%arg0: i32) -> i32 {
    %c0_i32 = arith.constant 0 : i32
    %c0_i32_0 = arith.constant 0 : i32
    return %c0_i32 : i32
  }
  func.func @transform_3(%arg0: i32) -> i32 {
    %c0_i32 = arith.constant 0 : i32
    %c0_i32_0 = arith.constant 0 : i32
    return %c0_i32 : i32
  }
  func.func @transform_4(%arg0: i32) -> (i32, i32) {
    %c0_i32 = arith.constant 0 : i32
    %c0_i32_0 = arith.constant 0 : i32
    return %arg0, %c0_i32 : i32, i32
  }
  func.func @transform_5(%arg0: i32) -> (i32, i32) {
    %c0_i32 = arith.constant 0 : i32
    %c0_i32_0 = arith.constant 0 : i32
    return %arg0, %c0_i32 : i32, i32
  }
  func.func @transform_6(%arg0: i32) -> (i32, i32) {
    %c0_i32 = arith.constant 0 : i32
    %c0_i32_0 = arith.constant 0 : i32
    return %arg0, %c0_i32 : i32, i32
  }
}

</mosaic_0001>

<sc_bundles>
// kernel: kernel.4.cloned.1.call-start
scs
__scs_entry_jumppad:
0x0: {  	(pc) =	sbr.rel $0x88, $3  }
0x1: {  	(tag) =	ssettag $0x0;
	lr =	simm.s32 $0x1  }
0x2: {  	[smem:$0x3F9C] =	sst lr;
	_ =	strace $0xD0000000  }
0x3: {  	_ = 	snop  }
0x4: {  	_ = 	snop  }
0x5: {  	_ = 	snop  }
0x6: {  	_ = 	snop  }
0x7: {  	_ = 	snop  }
__scs_overlays_trampoline_lowered:
0x8: {  	[smem:$0x3FAB] =	sst s0  }
0x9: {  	[smem:$0x3FAC] =	sst s1  }
0xa: {  	[smem:$0x3FAD] =	sst s2  }
0xb: {  	[smem:$0x3FAE] =	sst s3  }
0xc: {  	[smem:$0x3FAF] =	sst s4  }
0xd: {  	[smem:$0x3FB0] =	sst s5  }
0xe: {  	[smem:$0x3FB1] =	sst s6  }
0xf: {  	[smem:$0x3FB2] =	sst s7  }
0x10: {  	[smem:$0x3FB3] =	sst s8  }
0x11: {  	[smem:$0x3FB4] =	sst s9;
	s0 =	simm.s32 @!p0 $0x0  }
0x12: {  	s1 =	sld [smem:$0x3F9A];
	s0 =	simm.s32 @p0 $0x1  }
0x13: {  	[smem:$0x3FB5] =	sst s0;
	s0 =	simm.s32 @!p1 $0x0  }
0x14: {  	s2 =	sld [smem:$0x3F99];
	s0 =	simm.s32 @p1 $0x1  }
0x15: {  	[smem:$0x3FB6] =	sst s0;
	s0 =	simm.s32 @!p2 $0x0  }
0x16: {  	s3 =	sld [smem:$0x3FDB];
	s0 =	simm.s32 @p2 $0x1  }
0x17: {  	s4 =	simm.s32 $0x1BF5;
	[smem:$0x3FB8] =	sst s0  }
0x18: {  	s0 =	sld [smem:$0x3F9B];
	_ =	swait.ge [sflag:s4], $0x0  }
0x19: {  	s7 =	sld [smem:$0x3F9C]  }
0x1a: {  	s8 =	sadd.s32 $0xFFFFE003, lr  }
0x1b: {  	s9 =	sadd.s32 $0xFFFFFEF7, lr;
	s5 =	simm.s32 $0xFFFFFFFF;
	p2 =	slt.u32 s8, $0xFFFFF086  }
0x1c: {  	p1 =	slt.u32 s9, $0xF7A;
	s5 =	simm.s32 @!p2 $0x0  }
0x1d: {  	s5 =	simm.s32 @p1 $0x1;
	p0 =	seq.s32 s7, s2  }
0x1e: {  	s7 =	smul.u32 @!p0 $0xF7A, s2;
	p2 =	seq.s32 @!p0 s5, $0x0  }
0x1f: {  	s9 =	smul.u32 $0xF7A, s1;
	s8 =	simm.s32 @!p0 $0x1BF5;
	p2 =	por !p2, p0  }
0x20: {  	[sflag:s8] =	ssyncset.s32 @!p0 $0xFFFFF086;
	s6 =	sadd.s32 @!p0 s3, s7;
	s7 =	simm.s32 @!p0 $0x108  }
0x21: {  	s3 =	sadd.s32 s3, s9;
	s6 =	sadd.s32 @!p0 $0x88, s6;
	s7 =	simm.s32 @p2 $0x1082  }
0x22: {  	[simem:s7], [sflag:s8] =	dma.local @!p0 [hbm:s6], $0xF7A  }
0x23: {  	s9 =	sor.u32 $0xD0000000, s2;
	s6 =	simm.s32 $0x108;
	_ =	swait.ge @!p0 [sflag:s8], $0x0  }
0x24: {  	s3 =	sadd.s32 $0x88, s3;
	s6 =	simm.s32 @!p1 $0x1082;
	[sflag:s4] =	ssyncset.s32 $0xFFFFF086  }
0x25: {  	[simem:s6], [sflag:s4] =	dma.local [hbm:s3], $0xF7A  }
0x26: {  	[smem:$0x3F9C] =	sst s1;
	(tag) =	ssettag s2;
	_ =	strace s9  }
0x27: {  	s1 =	sld [smem:$0x3FAC]  }
0x28: {  	s2 =	sld [smem:$0x3FAD]  }
0x29: {  	s4 =	sld [smem:$0x3FAF]  }
0x2a: {  	p0 =	seq.s32 s5, $0x0;
	s5 =	sld [smem:$0x3FB0]  }
0x2b: {  	s6 =	sld [smem:$0x3FB1]  }
0x2c: {  	s7 =	sld [smem:$0x3FB2]  }
0x2d: {  	s3 =	simm.s32 $0x108;
	s8 =	sld [smem:$0x3FB3]  }
0x2e: {  	s3 =	simm.s32 @!p0 $0x1082;
	s9 =	sld [smem:$0x3FB4]  }
0x2f: {  	lr =	sadd.s32 s0, s3;
	s0 =	sld [smem:$0x3FAB]  }
0x30: {  	s3 =	sld [smem:$0x3FAE]  }
0x31: {  	[smem:$0x3FB7] =	sst s10  }
0x32: {  	s10 =	sld [smem:$0x3FB5];
	_ =	sdelay $0x3  }
0x33: {  	p0 =	seq.s32 s10, $0x1;
	s10 =	sld [smem:$0x3FB7];
	_ =	sdelay $0x3  }
0x34: {  	[smem:$0x3FB7] =	sst s10  }
0x35: {  	s10 =	sld [smem:$0x3FB6];
	_ =	sdelay $0x3  }
0x36: {  	p1 =	seq.s32 s10, $0x1;
	s10 =	sld [smem:$0x3FB7];
	_ =	sdelay $0x3  }
0x37: {  	[smem:$0x3FB7] =	sst s10  }
0x38: {  	s10 =	sld [smem:$0x3FB8]  }
0x39: {  	_ = 	snop;
	(pc) =	sbr.ind lr, $3  }
0x3a: {  	_ = 	snop  }
0x3b: {  	_ = 	snop  }
0x3c: {  	p2 =	seq.s32 s10, $0x1;
	s10 =	sld [smem:$0x3FB7]  }
0x3d: {  	_ =	shalt  }
0x3e: {  	_ =	shalt  }
0x3f: {  	_ =	shalt  }
0x40: {  	_ =	shalt  }
0x41: {  	_ =	shalt  }
0x42: {  	_ =	shalt  }
0x43: {  	_ =	shalt  }
0x44: {  	_ =	shalt  }
0x45: {  	_ =	shalt  }
0x46: {  	_ =	shalt  }
0x47: {  	_ =	shalt  }
0x48: {  	_ =	shalt  }
0x49: {  	_ =	shalt  }
0x4a: {  	_ =	shalt  }
0x4b: {  	_ =	shalt  }
0x4c: {  	_ =	shalt  }
0x4d: {  	_ =	shalt  }
0x4e: {  	_ =	shalt  }
0x4f: {  	_ =	shalt  }
0x50: {  	_ =	shalt  }
0x51: {  	_ =	shalt  }
0x52: {  	_ =	shalt  }
0x53: {  	_ =	shalt  }
0x54: {  	_ =	shalt  }
0x55: {  	_ =	shalt  }
0x56: {  	_ =	shalt  }
0x57: {  	_ =	shalt  }
0x58: {  	_ =	shalt  }
0x59: {  	_ =	shalt  }
0x5a: {  	_ =	shalt  }
0x5b: {  	_ =	shalt  }
0x5c: {  	_ =	shalt  }
0x5d: {  	_ =	shalt  }
0x5e: {  	_ =	shalt  }
0x5f: {  	_ =	shalt  }
0x60: {  	_ =	shalt  }
0x61: {  	_ =	shalt  }
0x62: {  	_ =	shalt  }
0x63: {  	_ =	shalt  }
0x64: {  	_ =	shalt  }
0x65: {  	_ =	shalt  }
0x66: {  	_ =	shalt  }
0x67: {  	_ =	shalt  }
0x68: {  	_ =	shalt  }
0x69: {  	_ =	shalt  }
0x6a: {  	_ =	shalt  }
0x6b: {  	_ =	shalt  }
0x6c: {  	_ =	shalt  }
0x6d: {  	_ =	shalt  }
0x6e: {  	_ =	shalt  }
0x6f: {  	_ =	shalt  }
0x70: {  	_ =	shalt  }
0x71: {  	_ =	shalt  }
0x72: {  	_ =	shalt  }
0x73: {  	_ =	shalt  }
0x74: {  	_ =	shalt  }
0x75: {  	_ =	shalt  }
0x76: {  	_ =	shalt  }
0x77: {  	_ =	shalt  }
0x78: {  	_ =	shalt  }
0x79: {  	_ =	shalt  }
0x7a: {  	_ =	shalt  }
0x7b: {  	_ =	shalt  }
0x7c: {  	_ =	shalt  }
0x7d: {  	_ =	shalt  }
0x7e: {  	_ =	shalt  }
0x7f: {  	_ =	shalt  }
0x80: {  	_ =	shalt  }
0x81: {  	_ =	shalt  }
0x82: {  	_ =	shalt  }
0x83: {  	_ =	shalt  }
0x84: {  	_ =	shalt  }
0x85: {  	_ =	shalt  }
0x86: {  	_ =	shalt  }
0x87: {  	_ =	shalt  }
.Lfunc_end0:
.L_simem_size_0:
called_computation_lowered:
.L_overlay_start_0:
0x88: {  	s2 =	sld [smem:$0x3FD9]  }
0x89: {  	s3 =	sld [smem:$0x3FFE];
	_ =	sdelay $0x1  }
0x8a: {  	s1 =	srdreg.scid  }
0x8b: {  	s0 =	sand.u32 $0x1, s1  }
0x8c: {  	s17 =	sshll.u32 s0, $0xA;
	s2 =	sadd.s32 s3, s2  }
0x8d: {  	s2 =	sadd.s32 s2, s17  }
0x8e: {  	[smem:$0x3FC3] =	sst s2  }
0x8f: {  	_ = 	snop  }
0x90: {  	s2 =	sld [smem:$0x3FD0];
	(tm) =	ssettm $0x1  }
0x91: {  	s18 =	sld [smem:$0x3FFB];
	_ =	sdelay $0x3  }
0x92: {  	_ =	strace s18  }
0x93: {  	s3 =	sld [smem:$0x3FFC];
	_ =	sdelay $0x3  }
0x94: {  	_ =	strace s3  }
0x95: {  	s3 =	sld [smem:$0x3FFD];
	_ =	sdelay $0x3  }
0x96: {  	_ =	strace s3  }
0x97: {  	_ =	strace $0x8FFFFFFF  }
0x98: {  	s19 =	sld [smem:$0x3FDB];
	_ =	sdelay $0x1  }
0x99: {  	s4 =	simm.s32 $_scs_section_size  }
0x9a: {  	s5 =	simm.s32 $_size__tile_overlayer_lowered;
	s6 =	simm.s32 $_tile_overlayer_lowered  }
0x9b: {  	s22 =	simm.s32 $0x1BFF;
	s21 =	sshll.u32 s6, $0x1;
	s3 =	sadd.s32 s4, s19  }
0x9c: {  	s7 =	simm.s32 $0x0;
	s20 =	sshll.u32 s5, $0x1;
	s5 =	sadd.s32 s21, s3  }
0x9d: {  	[timem:s7], [sflag:s22] =	dma.local [hbm:s5], s20  }
0x9e: {  	_ =	swait.ge [sflag:s22], s20  }
0x9f: {  	s4 =	ssub.s32 $0x0, s20;
	[sflag:s22] =	ssyncset.done $0x0  }
0xa0: {  	[sflag:s22] =	ssyncadd.s32 s4;
	_ =	sdelay $0x1  }
0xa1: {  	s23 =	simm.s32 $0x1B8B  }
0xa2: {  	_ =	swait.ge [sflag:s23], $0x1  }
0xa3: {  	[sflag:s23] =	ssyncset.done $0x0  }
0xa4: {  	s25 =	simm.s32 $0x1B8E;
	s24 =	sld [smem:$0x3FFE];
	[sflag:s23] =	ssyncadd.s32 $0xFFFFFFFF  }
0xa5: {  	s26 =	simm.s32 $execute0_lowered;
	[smem:$0x3FD2] =	sst s25  }
0xa6: {  	s5 =	sshll.u32 s26, $0x1;
	_ =	strace $0x80000046;
	[dreg:$0x1] =	wrdreg $0xFFFFFFFF  }
0xa7: {  	s28 =	simm.s32 $_size_execute0_lowered;
	s3 =	sadd.s32 s3, s5;
	[dreg:$0x0] =	wrdreg $0x0  }
0xa8: {  	s5 =	sshll.u32 s28, $0x1;
	[dreg:$0x2] =	wrdreg s3  }
0xa9: {  	[dreg:$0x3] =	wrdreg s5  }
0xaa: {  	[dreg:$0x4] =	wrdreg $0xC0  }
0xab: {  	_ =	task [dreg:s7], $0x5FFFF  }
0xac: {  	[dreg:$0x1] =	wrdreg $0xFFFFFFFF  }
0xad: {  	[dreg:$0x0] =	wrdreg $0x60  }
0xae: {  	[dreg:$0x2] =	wrdreg s2  }
0xaf: {  	[dreg:$0x3] =	wrdreg s24  }
0xb0: {  	[dreg:$0x4] =	wrdreg $0x9  }
0xb1: {  	_ =	task.clear_ibuf [dreg:s7], $0x5FFFF;
	_ =	strace $0x90000046  }
0xb2: {  	s29 =	simm.s32 $0x9;
	_ =	strace $0x80000048  }
0xb3: {  	_ =	swait.ge [sflag:s29], $0x1  }
0xb4: {  	[sflag:s29] =	ssyncadd.s32 $0xFFFFFFFF  }
0xb5: {  	_ =	strace $0x90000048  }
0xb6: {  	_ =	sfence  }
0xb7: {  	s30 =	sld [smem:$0x0];
	_ =	sdelay $0x2  }
0xb8: {  	s31 =	sshll.u32 s1, $0xD;
	s1 =	sshrl.u32 s1, $0x2  }
0xb9: {  	s3 =	sand.u32 $0x4000, s31;
	s1 =	sadd.s32 s1, s30  }
0xba: {  	s0 =	sor.u32 s3, s0;
	s1 =	sshll.u32 s1, $0x11  }
0xbb: {  	s0 =	sor.u32 s1, s0  }
0xbc: {  	s0 =	sadd.s32 $0x8F2B, s0  }
0xbd: {  	[sflag:s0] =	ssyncadd.remote.s32 $0x1  }
0xbe: {  	_ =	sfence.sel $0xFFFF  }
0xbf: {  	[dreg:$0x0] =	wrdreg $0xFFFFFFFF;
	(pc) =	sbr.abs _section_cstart, $3  }
0xc0: {  	[dreg:$0x1] =	wrdreg $0xFFFFFFFF  }
0xc1: {  	_ =	task.clear_ibuf [dreg:s7], $0x2FFFF;
	_ =	strace $0x9FFFFFFF  }
0xc2: {  	(tm) =	ssettm $0x7FFFFFFF  }
0xc3: {  	_ =	shalt  }
tec
execute0_lowered:
.L_overlay_start_1:
0x0: {  	(tag) =	ssettag $0x1  }
0x1: {  	s0 =	rddreg [dreg:$0x0]  }
0x2: {  	s1 =	rddreg [dreg:$0x1];
	s2 =	simm.s32 $0x0  }
0x3: {  	s23 =	srdreg.scid;
	s6 =	stileid.u32;
	s28 =	simm.s32 $0x1400  }
0x4: {  	s29 =	simm.s32 $0x1480;
	s30 =	simm.s32 $0x1500;
	s31 =	simm.s32 $0x0  }
0x5: {  	[smem:$0x7FF] =	sst s2;
	s2 =	sand.u32 $0x1, s23;
	s3 =	sshll.u32 s6, $0x5  }
0x6: {  	s4 =	sshll.u32 s6, $0x8;
	s24 =	sshll.u32 s6, $0xC;
	s23 =	simm.s32 $0x80  }
0x7: {  	_ =	strace $0x80000047;
	s5 =	sshll.u32 s2, $0x4;
	s3 =	sand.u32 $0x60, s3  }
0x8: {  	s4 =	sand.u32 $0xC00, s4;
	s2 =	ssub.s32 $0x2, s2;
	s3 =	sor.u32 s5, s3  }
0x9: {  	s5 =	sand.u32 $0xC000, s24;
	s26 =	sshrl.u32 s2, $0x1;
	s24 =	simm.s32 $0x400  }
0xa: {  	s4 =	sor.u32 s4, s3;
	s3 =	sor.u32 s5, s3;
	s2 =	ssub.s32 s2, s26  }
0xb: {  	s25 =	sadd.s32 s4, s1;
	s1 =	sadd.s32 s3, s1;
	s0 =	sadd.s32 s0, s4  }
0xc: {  	s22 =	smax.u32 s2, $0x1;
	[dreg:$0x3] =	wrdreg s0;
	s4 =	sadd.s32 $0xC00, s25  }
0xd: {  	s5 =	sadd.s32 $0x1C00, s25;
	s6 =	sadd.s32 $0x2C00, s1;
	s7 =	sadd.s32 $0x3000, s1  }
0xe: {  	v1 =	vlaneseq.u32;
	v6 =	vimm.s32 $0x6;
	s8 =	sadd.s32 $0x3400, s1;
	s9 =	sadd.s32 $0x3800, s1;
	s10 =	sadd.s32 $0x3C00, s1  }
0xf: {  	v7 =	vimm.s32 $0x7;
	v8 =	vimm.s32 $0x8;
	v9 =	vimm.s32 $0x9;
	s11 =	sadd.s32 $0x4000, s1;
	s12 =	sadd.s32 $0x4400, s1;
	s13 =	sadd.s32 $0x4800, s1  }
0x10: {  	v10 =	vimm.s32 $0xA;
	v11 =	vimm.s32 $0xB;
	v0 =	vmul.u32 $0xFFFFFFFF, v1;
	s14 =	sadd.s32 $0x4C00, s1;
	s15 =	sadd.s32 $0x5000, s1;
	s16 =	sadd.s32 $0x5400, s1  }
0x11: {  	v12 =	vimm.s32 $0xC;
	v13 =	vimm.s32 $0xD;
	v14 =	vimm.s32 $0xE;
	s17 =	sadd.s32 $0x5800, s1;
	s18 =	sadd.s32 $0x5C00, s1;
	s19 =	sadd.s32 $0x6000, s1  }
0x12: {  	v15 =	vimm.s32 $0xF;
	v16 =	vmul.u32 $0x10, v1;
	v0 =	vadd.s32 $0xF, v0;
	s20 =	sadd.s32 $0x6400, s1;
	s21 =	sadd.s32 $0x6800, s1;
	s25 =	simm.s32 $0x1  }
.LBB2_1:
0x13: {  	s0 =	simm.s32 $0x0;
	s1 =	rddreg [dreg:$0x3]  }
0x14: {  	[tilespmem:s0], [sflag:$0x1] =	stream.strided.gather [hbm4b:s1+s23], $0x400, s24, s23, $0x38;
	[tilespmem:$0x5500] =	vst v63  }
0x15: {  	_ =	swait.ge [sflag:s25], $0x400  }
0x16: {  	[sflag:s25] =	ssyncset.done $0x0  }
0x17: {  	[sflag:s25] =	ssyncadd.s32 $0xFFFFFC00  }
0x18: {  	[tilespmem:s24], [sflag:$0x1] =	stream.strided.gather [hbm4b:s4+s23], $0x400, s24, s23, $0x38;
	[tilespmem:$0x5500] =	vst v63  }
0x19: {  	_ =	swait.ge [sflag:s25], $0x400  }
0x1a: {  	[sflag:s25] =	ssyncset.done $0x0  }
0x1b: {  	s2 =	simm.s32 $0x800;
	[sflag:s25] =	ssyncadd.s32 $0xFFFFFC00  }
0x1c: {  	[tilespmem:s2], [sflag:$0x1] =	stream.strided.gather [hbm4b:s5+s23], $0x400, s24, s23, $0x38;
	[tilespmem:$0x5500] =	vst v63  }
0x1d: {  	_ =	swait.ge [sflag:s25], $0x400  }
0x1e: {  	[sflag:s25] =	ssyncset.done $0x0  }
0x1f: {  	s3 =	simm.s32 $0x0;
	[sflag:s25] =	ssyncadd.s32 $0xFFFFFC00  }
0x20: {  	v1 =	vld [tilespmem:s3+$0x400];
	_ =	sdelay $0x4  }
0x21: {  	(xrf1) =	vsort.ascd.msk.f32 $0xffff, v1, v1;
	_ =	sdelay $0xd  }
0x22: {  	v1 =	vimm.f32 $-Inf;
	v17, _, _ =	vpop (xrf1)  }
0x23: {  	s26 =	simm.s32 $0x10;
	v1 =	vmax.f32 v1, v17  }
0x24: {  	(xrf1) =	vsort.ascd.msk.f32 $0xffff, v1, v1;
	v1 =	vld [tilespmem:s26+$0x400];
	_ =	sdelay $0x4  }
0x25: {  	(xrf1) =	vsort.ascd.msk.f32 $0xffff, v1, v1;
	_ =	sdelay $0x7  }
0x26: {  	v17 =	vperm.xlane v17, v0;
	_ =	sdelay $0x2  }
0x27: {  	v18 =	vimm.f32 $+Inf  }
0x28: {  	s1 =	simm.s32 $0x20;
	s0 =	simm.s32 $0xC0;
	v1 =	vmin.f32 v18, v17;
	v17, _, _ =	vpop (xrf1)  }
.LBB2_2:
0x29: {  	p0 =	sne.s32 s0, $0xFC0;
	v18 =	vld [tilespmem:s1+$0x400];
	v17 =	vperm.xlane v17, v0;
	(xrf1) =	vsort.ascd.msk.f32 $0xffff, v1, v1  }
0x2a: {  	v1, _, _ =	vpop (xrf1)  }
0x2b: {  	v17 =	vmax.f32 v17, v1  }
0x2c: {  	(xrf1) =	vsort.ascd.msk.f32 $0xffff, v17, v17;
	_ =	sdelay $0x1  }
0x2d: {  	(xrf1) =	vsort.ascd.msk.f32 $0xffff, v18, v18;
	_ =	sdelay $0x7  }
.Ltmp0:
0x2e: {  	(pc) =	sbr.rel @p0 .LBB2_2-.Ltmp0, $3  }
0x2f: {  	v17, _, _ =	vpop (xrf1)  }
0x30: {  	v1 =	vperm.xlane v1, v0;
	_ =	sdelay $0x1  }
0x31: {  	s1 =	sshra.s32 s0, $0x2;
	s0 =	sadd.s32 $0x40, s0;
	v1 =	vmin.f32 v17, v1;
	v17, _, _ =	vpop (xrf1)  }
0x32: {  	(xrf1) =	vsort.ascd.msk.f32 $0xffff, v1, v1;
	_ =	sdelay $0x7  }
0x33: {  	v1 =	vld [tilespmem:s1+$0x400];
	v17 =	vperm.xlane v17, v0  }
0x34: {  	v18, _, _ =	vpop (xrf1)  }
0x35: {  	v17 =	vmax.f32 v17, v18  }
0x36: {  	(xrf1) =	vsort.ascd.msk.f32 $0xffff, v17, v17;
	_ =	sdelay $0x1  }
0x37: {  	(xrf1) =	vsort.ascd.msk.f32 $0xffff, v1, v1;
	v1 =	vperm.xlane v18, v0  }
0x38: {  	v17, _, _ =	vpop (xrf1)  }
0x39: {  	v1 =	vmin.f32 v17, v1  }
0x3a: {  	(xrf1) =	vsort.ascd.msk.f32 $0xffff, v1, v1;
	_ =	sdelay $0x8  }
0x3b: {  	v1, _, _ =	vpop (xrf1)  }
0x3c: {  	v1 =	vperm.xlane v1, v0  }
0x3d: {  	v17, _, _ =	vpop (xrf1)  }
0x3e: {  	v1 =	vmax.f32 v1, v17  }
0x3f: {  	(xrf1) =	vsort.ascd.msk.f32 $0xffff, v1, v1;
	v1 =	vperm.xlane v17, v0  }
0x40: {  	v17, _, _ =	vpop (xrf1)  }
0x41: {  	v1 =	vmin.f32 v17, v1  }
0x42: {  	(xrf1) =	vsort.ascd.msk.f32 $0xffff, v1, v1;
	_ =	sdelay $0xa  }
0x43: {  	v1, _, _ =	vpop (xrf1)  }
0x44: {  	v1 =	vperm.xlane v1, v0;
	_ =	sdelay $0x1  }
0x45: {  	(xrf0) =	vmax.scan.msk.f32 $0xffff, v1;
	v17, _, _ =	vpop (xrf1)  }
0x46: {  	[tilespmem:$0x1400] =	vst v1;
	(xrf0) =	vmin.scan.msk.f32 $0xffff, v17  }
0x47: {  	s0 =	simm.s32 $0x0;
	[tilespmem:$0x1480] =	vst v17  }
0x48: {  	v1 =	vld [tilespmem:s0+$0x0]  }
0x49: {  	v21 =	vld [tilespmem:s0+$0x800];
	_ =	sdelay $0x1  }
0x4a: {  	v17, _, _ =	vpop (xrf0)  }
0x4b: {  	v18, _, _ =	vpop (xrf0)  }
0x4c: {  	v17 =	vbroadcast v17, $0xF;
	v18 =	vbroadcast v18, $0xF  }
0x4d: {  	s1 =	simm.s32 $0x10;
	vm0 =	vgt.f32 v1, $0.0e+00;
	(erf) = vrcp.f32 v21  }
0x4e: {  	v20 =	vld [tilespmem:s1+$0x800];
	v19 =	vsel vm0, v17, v18  }
0x4f: {  	v1 =	vmul.f32 v19, v1;
	v19 =	vld [tilespmem:s1+$0x0];
	_ =	sdelay $0x2  }
0x50: {  	s2 =	simm.s32 $0x80;
	[tilespmem:s0+$0xC00] =	vst v1  }
.LBB2_4:
0x51: {  	s26 =	sshra.s32 s2, $0x2;
	p0 =	sne.s32 s2, $0xFC0;
	s2 =	sadd.s32 $0x40, s2;
	(erf) = vrcp.f32 v20  }
.Ltmp1:
0x52: {  	v20 =	vld [tilespmem:s26+$0x800];
	vm0 =	vgt.f32 v19, $0.0e+00;
	v1 =	vmov v19;
	(pc) =	sbr.rel @p0 .LBB2_4-.Ltmp1, $4  }
0x53: {  	v19 =	vld [tilespmem:s26+$0x0];
	v2 =	vsel vm0, v17, v18  }
0x54: {  	v1 =	vmul.f32 v2, v1;
	v21 =	vpop (erf)  }
0x55: {  	[tilespmem:s0+$0x1000] =	vst v21;
	s0 =	smov.u32 s1;
	s1 =	smov.u32 s26  }
0x56: {  	[tilespmem:s0+$0xC00] =	vst v1  }
0x57: {  	(erf) = vrcp.f32 v20;
	_ =	sdelay $0x2  }
0x58: {  	vm0 =	vgt.f32 v19, $0.0e+00  }
0x59: {  	v1 =	vsel vm0, v17, v18  }
0x5a: {  	v1 =	vmul.f32 v1, v19  }
0x5b: {  	v2 =	vimm.s32 $0x2  }
0x5c: {  	v3 =	vimm.s32 $0x3;
	v19 =	vpop (erf)  }
0x5d: {  	v4 =	vimm.s32 $0x4;
	[tilespmem:s0+$0x1000] =	vst v19  }
0x5e: {  	v5 =	vimm.s32 $0x5;
	[tilespmem:s1+$0xC00] =	vst v1;
	v1 =	vpop (erf)  }
0x5f: {  	[tilespmem:s1+$0x1000] =	vst v1  }
0x60: {  	v20 =	vld.idx.msk [tilespmem:v2+s28+$0x0], $0xffff  }
0x61: {  	v21 =	vld.idx.msk [tilespmem:v3+s28+$0x0], $0xffff  }
0x62: {  	v22 =	vld.idx.msk [tilespmem:v4+s28+$0x0], $0xffff  }
0x63: {  	v1 =	vimm.s32 $0x1;
	v23 =	vld.idx.msk [tilespmem:v5+s28+$0x0], $0xffff  }
0x64: {  	v24 =	vld.idx.msk [tilespmem:v6+s28+$0x0], $0xffff  }
0x65: {  	v27 =	vld.idx.msk [tilespmem:v10+s28+$0x0], $0xffff  }
0x66: {  	v29 =	vld.idx.msk [tilespmem:v2+s29+$0x0], $0xffff  }
0x67: {  	v30 =	vld.idx.msk [tilespmem:v3+s29+$0x0], $0xffff  }
0x68: {  	v19 =	vld.idx.msk [tilespmem:v1+s28+$0x0], $0xffff  }
0x69: {  	s0 =	simm.s32 $0x0;
	v28 =	vld.idx.msk [tilespmem:v1+s29+$0x0], $0xffff  }
0x6a: {  	v1 =	vld [tilespmem:s0+$0x0]  }
0x6b: {  	v31 =	vld.idx.msk [tilespmem:v4+s29+$0x0], $0xffff  }
0x6c: {  	v32 =	vld.idx.msk [tilespmem:v5+s29+$0x0], $0xffff  }
0x6d: {  	v35 =	vmov s0;
	v33 =	vld.idx.msk [tilespmem:v10+s29+$0x0], $0xffff  }
0x6e: {  	v50 =	vshll.u32 v35, $0x4;
	s1 =	simm.s32 $0xC00;
	v35 =	vld.idx.msk [tilespmem:v6+s29+$0x0], $0xffff  }
0x6f: {  	v53 =	vld [tilespmem:s1+$0x0];
	vm15 =	vgt.f32 v1, $0.0e+00  }
0x70: {  	v36 =	vsel vm15, v17, v18;
	v37 =	vsel vm15, v19, v28;
	v39 =	vsel vm15, v21, v30  }
0x71: {  	v25 =	vld.idx.msk [tilespmem:v7+s28+$0x0], $0xffff;
	v40 =	vsel vm15, v22, v31;
	v41 =	vsel vm15, v20, v29;
	v43 =	vsel vm15, v23, v32  }
0x72: {  	v26 =	vld.idx.msk [tilespmem:v8+s28+$0x0], $0xffff;
	v45 =	vsel vm15, v27, v33;
	v38 =	vmul.f32 v36, v1;
	v44 =	vmul.f32 v37, v1  }
0x73: {  	v34 =	vld.idx.msk [tilespmem:v9+s28+$0x0], $0xffff;
	v48 =	vsel vm15, v24, v35;
	v39 =	vmul.f32 v39, v1;
	v41 =	vmul.f32 v41, v1  }
0x74: {  	v36 =	vld.idx.msk [tilespmem:v7+s29+$0x0], $0xffff;
	v40 =	vmul.f32 v40, v1;
	v43 =	vmul.f32 v43, v1;
	v42 =	vsub.f32 v38, v53  }
0x75: {  	v37 =	vld.idx.msk [tilespmem:v8+s29+$0x0], $0xffff;
	v51 =	vmul.f32 v45, v1;
	v39 =	vsub.f32 v39, v53;
	v41 =	vsub.f32 v41, v53  }
0x76: {  	v61 =	vmul.f32 v48, v1;
	v38 =	vld.idx.msk [tilespmem:v9+s29+$0x0], $0xffff;
	v46 =	vsub.f32 v40, v53;
	v54 =	vsub.f32 v43, v53  }
0x77: {  	v45 =	vld.idx.msk [tilespmem:v14+s28+$0x0], $0xffff;
	v55 =	vsub.f32 v44, v53;
	v42 =	vmul.f32 $1.442695020e+00, v42;
	v47 =	vmul.f32 $1.442695020e+00, v39  }
0x78: {  	v40 =	vld.idx.msk [tilespmem:v12+s28+$0x0], $0xffff;
	v60 =	vmul.f32 $1.442695020e+00, v41;
	v46 =	vmul.f32 $1.442695020e+00, v46  }
0x79: {  	v43 =	vld.idx.msk [tilespmem:v12+s29+$0x0], $0xffff;
	v54 =	vmul.f32 $1.442695020e+00, v54;
	v55 =	vmul.f32 $1.442695020e+00, v55;
	v49 =	vsel vm15, v25, v36  }
0x7a: {  	v39 =	vld.idx.msk [tilespmem:v11+s28+$0x0], $0xffff;
	v52 =	vsel vm15, v26, v37;
	(erf) = vpow2.f32 v42;
	v49 =	vmul.f32 v49, v1  }
0x7b: {  	v42 =	vld.idx.msk [tilespmem:v11+s29+$0x0], $0xffff;
	(erf) = vpow2.f32 v47;
	v62 =	vsel vm15, v34, v38;
	v47 =	vsub.f32 v61, v53  }
0x7c: {  	v44 =	vld.idx.msk [tilespmem:v13+s29+$0x0], $0xffff;
	v52 =	vmul.f32 v52, v1;
	v48 =	vmul.f32 v62, v1;
	v56 =	vsub.f32 v49, v53  }
0x7d: {  	v51 =	vsub.f32 v51, v53;
	v41 =	vld.idx.msk [tilespmem:v13+s28+$0x0], $0xffff;
	(erf) = vpow2.f32 v46;
	v47 =	vmul.f32 $1.442695020e+00, v47  }
0x7e: {  	v52 =	vsub.f32 v52, v53;
	v46 =	vld.idx.msk [tilespmem:v14+s29+$0x0], $0xffff;
	(erf) = vpow2.f32 v60;
	v56 =	vmul.f32 $1.442695020e+00, v56  }
0x7f: {  	s2 =	simm.s32 $0x1000;
	v51 =	vmul.f32 $1.442695020e+00, v51;
	v48 =	vsub.f32 v48, v53;
	(erf) = vpow2.f32 v47  }
0x80: {  	v49 =	vld [tilespmem:s2+$0x0];
	v52 =	vmul.f32 $1.442695020e+00, v52;
	v58 =	vsel vm15, v39, v42;
	(erf) = vpow2.f32 v56  }
0x81: {  	v47 =	vld.idx.msk [tilespmem:v15+s28+$0x0], $0xffff;
	v56 =	vmul.f32 v58, v1;
	v58 =	vsel vm15, v40, v43;
	(erf) = vpow2.f32 v55  }
0x82: {  	v60 =	vsel vm15, v41, v44;
	v57 =	vmul.f32 $1.442695020e+00, v48;
	v48 =	vld.idx.msk [tilespmem:v15+s29+$0x0], $0xffff;
	v58 =	vmul.f32 v58, v1  }
0x83: {  	v55 =	vmul.f32 v60, v1;
	v61 =	vsel vm15, v45, v46;
	v56 =	vsub.f32 v56, v53  }
0x84: {  	v50 =	vor.u32 v16, v50;
	(erf) = vpow2.f32 v57;
	v57 =	vmul.f32 v61, v1;
	v59 =	vpop (erf)  }
0x85: {  	(erf) = vpow2.f32 v51;
	v55 =	vsub.f32 v55, v53;
	v63 =	vpop (erf);
	v51 =	vmul.f32 $1.442695020e+00, v56  }
0x86: {  	v56 =	vsub.f32 v58, v53;
	(erf) = vpow2.f32 v52;
	v62 =	vmul.f32 v63, v49;
	v52 =	vpop (erf)  }
0x87: {  	v58 =	vsel vm15, v47, v48;
	v55 =	vmul.f32 $1.442695020e+00, v55;
	v60 =	vpop (erf);
	(erf) = vpow2.f32 v54  }
0x88: {  	v1 =	vmul.f32 v58, v1;
	v54 =	vsub.f32 v57, v53;
	v63 =	vpop (erf);
	(erf) = vpow2.f32 v51  }
0x89: {  	v58 =	vmul.f32 v59, v49;
	v59 =	vor.u32 $0x1, v50;
	v56 =	vmul.f32 $1.442695020e+00, v56;
	v61 =	vpop (erf)  }
0x8a: {  	v1 =	vsub.f32 v1, v53;
	v54 =	vmul.f32 $1.442695020e+00, v54;
	v51 =	vmul.f32 v63, v49;
	v63 =	vpop (erf)  }
0x8b: {  	v53 =	vmul.f32 v61, v49;
	v61 =	vmul.f32 v63, v49;
	v63 =	vor.u32 $0x2, v50  }
0x8c: {  	v2 =	vor.u32 $0x3, v50;
	v52 =	vmul.f32 v52, v49;
	(erf) = vpow2.f32 v55  }
0x8d: {  	v57 =	vor.u32 $0x4, v50;
	v3 =	vmul.f32 v60, v49;
	v55 =	vpop (erf);
	(erf) = vpow2.f32 v54  }
0x8e: {  	v60 =	vor.u32 $0x6, v50;
	[tilespmem:v50+s30+$0x0] =	vst.idx.msk $0xffff, v58;
	v58 =	vor.u32 $0x5, v50;
	v4 =	vpop (erf);
	(erf) = vpow2.f32 v56  }
0x8f: {  	v5 =	vmul.f32 $1.442695020e+00, v1;
	v54 =	vor.u32 $0x9, v50;
	v55 =	vmul.f32 v55, v49;
	[tilespmem:v59+s30+$0x0] =	vst.idx.msk $0xffff, v61;
	v56 =	vpop (erf)  }
0x90: {  	v61 =	vor.u32 $0x7, v50;
	v59 =	vmul.f32 v56, v49;
	v56 =	vmul.f32 v4, v49;
	v1 =	vpop (erf);
	[tilespmem:v63+s30+$0x0] =	vst.idx.msk $0xffff, v3  }
0x91: {  	s26 =	simm.s32 $0x10;
	(erf) = vpow2.f32 v5;
	v1 =	vmul.f32 v1, v49;
	v63 =	vor.u32 $0x8, v50;
	[tilespmem:v2+s30+$0x0] =	vst.idx.msk $0xffff, v62;
	v62 =	vpop (erf)  }
.LBB2_6:
0x92: {  	[tilespmem:v57+s30+$0x0] =	vst.idx.msk $0xffff, v52;
	s0 =	sadd.s32 $0x10, s0;
	s1 =	sadd.s32 $0x10, s1;
	s2 =	sadd.s32 $0x10, s2  }
0x93: {  	p0 =	sne.s32 s26, $0x3F0;
	s3 =	smov.u32 s26;
	s26 =	sadd.s32 $0x10, s26;
	[tilespmem:v58+s30+$0x0] =	vst.idx.msk $0xffff, v1;
	v1 =	vor.u32 $0xA, v50  }
0x94: {  	v2 =	vor.u32 $0xB, v50;
	[tilespmem:v60+s30+$0x0] =	vst.idx.msk $0xffff, v51  }
0x95: {  	v3 =	vor.u32 $0xC, v50;
	[tilespmem:v61+s30+$0x0] =	vst.idx.msk $0xffff, v53;
	v4 =	vpop (erf)  }
0x96: {  	v5 =	vor.u32 $0xD, v50;
	[tilespmem:v63+s30+$0x0] =	vst.idx.msk $0xffff, v59;
	v4 =	vmul.f32 v4, v49;
	v51 =	vpop (erf)  }
0x97: {  	v52 =	vmul.f32 v62, v49;
	v53 =	vor.u32 $0xE, v50;
	[tilespmem:v54+s30+$0x0] =	vst.idx.msk $0xffff, v55;
	v51 =	vmul.f32 v51, v49;
	v54 =	vpop (erf)  }
0x98: {  	v50 =	vor.u32 $0xF, v50;
	[tilespmem:v1+s30+$0x0] =	vst.idx.msk $0xffff, v56;
	v54 =	vmul.f32 v54, v49  }
0x99: {  	[tilespmem:v2+s30+$0x0] =	vst.idx.msk $0xffff, v52  }
0x9a: {  	[tilespmem:v3+s30+$0x0] =	vst.idx.msk $0xffff, v54;
	v1 =	vpop (erf)  }
0x9b: {  	[tilespmem:v5+s30+$0x0] =	vst.idx.msk $0xffff, v4;
	v1 =	vmul.f32 v1, v49  }
0x9c: {  	[tilespmem:v53+s30+$0x0] =	vst.idx.msk $0xffff, v51  }
0x9d: {  	[tilespmem:v50+s30+$0x0] =	vst.idx.msk $0xffff, v1  }
0x9e: {  	v1 =	vld [tilespmem:s0+$0x0];
	_ =	sdelay $0x4  }
0x9f: {  	v3 =	vmov s3;
	v2 =	vld [tilespmem:s1+$0x0];
	vm0 =	vgt.f32 v1, $0.0e+00  }
0xa0: {  	v3 =	vshll.u32 v3, $0x4;
	v4 =	vsel vm0, v17, v18  }
0xa1: {  	v5 =	vsel vm0, v19, v28;
	v49 =	vsel vm0, v21, v30;
	v50 =	vsel vm0, v22, v31  }
0xa2: {  	v51 =	vsel vm0, v20, v29;
	v52 =	vsel vm0, v23, v32;
	v4 =	vmul.f32 v4, v1  }
0xa3: {  	v53 =	vsel vm0, v27, v33;
	v5 =	vmul.f32 v5, v1;
	v49 =	vmul.f32 v49, v1  }
0xa4: {  	v51 =	vmul.f32 v51, v1;
	v50 =	vmul.f32 v50, v1;
	v4 =	vsub.f32 v4, v2  }
0xa5: {  	v55 =	vsel vm0, v25, v36;
	v53 =	vmul.f32 v53, v1;
	v49 =	vsub.f32 v49, v2  }
0xa6: {  	v51 =	vsub.f32 v51, v2;
	v50 =	vsub.f32 v50, v2;
	v4 =	vmul.f32 $1.442695020e+00, v4  }
0xa7: {  	v54 =	vsel vm0, v24, v35;
	v55 =	vmul.f32 v55, v1;
	v49 =	vmul.f32 $1.442695020e+00, v49  }
0xa8: {  	v53 =	vsub.f32 v53, v2;
	v51 =	vmul.f32 $1.442695020e+00, v51;
	(erf) = vpow2.f32 v4  }
0xa9: {  	v4 =	vmul.f32 v52, v1;
	v52 =	vsel vm0, v26, v37;
	(erf) = vpow2.f32 v49  }
0xaa: {  	v50 =	vmul.f32 $1.442695020e+00, v50;
	v49 =	vmul.f32 v54, v1;
	v54 =	vsel vm0, v34, v38  }
0xab: {  	v5 =	vsub.f32 v5, v2;
	v4 =	vsub.f32 v4, v2;
	v54 =	vmul.f32 v54, v1  }
0xac: {  	v57 =	vmul.f32 $1.442695020e+00, v53;
	v52 =	vmul.f32 v52, v1;
	v56 =	vsub.f32 v49, v2  }
0xad: {  	v55 =	vsub.f32 v55, v2;
	v4 =	vmul.f32 $1.442695020e+00, v4;
	v49 =	vld [tilespmem:s2+$0x0];
	(erf) = vpow2.f32 v50  }
0xae: {  	v52 =	vsub.f32 v52, v2;
	v50 =	vmul.f32 $1.442695020e+00, v56;
	(erf) = vpow2.f32 v51  }
0xaf: {  	v54 =	vsub.f32 v54, v2;
	v56 =	vmul.f32 $1.442695020e+00, v5;
	v51 =	vmul.f32 $1.442695020e+00, v55  }
0xb0: {  	v52 =	vmul.f32 $1.442695020e+00, v52;
	(erf) = vpow2.f32 v50  }
0xb1: {  	v50 =	vmul.f32 $1.442695020e+00, v54;
	v54 =	vsel vm0, v39, v42;
	v55 =	vpop (erf);
	(erf) = vpow2.f32 v51  }
0xb2: {  	v51 =	vmul.f32 v54, v1;
	v54 =	vsel vm0, v40, v43;
	(erf) = vpow2.f32 v56;
	v5 =	vpop (erf)  }
0xb3: {  	v56 =	vsel vm0, v41, v44;
	v54 =	vmul.f32 v54, v1;
	v5 =	vmul.f32 v5, v49  }
0xb4: {  	v55 =	vmul.f32 v55, v49;
	v51 =	vsub.f32 v51, v2;
	(erf) = vpow2.f32 v50  }
0xb5: {  	v50 =	vmul.f32 v56, v1;
	v56 =	vsel vm0, v45, v46;
	(erf) = vpow2.f32 v57  }
0xb6: {  	v54 =	vsub.f32 v54, v2;
	v51 =	vmul.f32 $1.442695020e+00, v51;
	v53 =	vpop (erf);
	(erf) = vpow2.f32 v52  }
0xb7: {  	v56 =	vmul.f32 v56, v1;
	v57 =	vsub.f32 v50, v2;
	v52 =	vsel vm0, v47, v48;
	v58 =	vpop (erf)  }
0xb8: {  	v50 =	vor.u32 v16, v3;
	v1 =	vmul.f32 v52, v1;
	(erf) = vpow2.f32 v4  }
0xb9: {  	v52 =	vmul.f32 v53, v49;
	v3 =	vsub.f32 v56, v2;
	v4 =	vpop (erf);
	(erf) = vpow2.f32 v51  }
0xba: {  	v1 =	vsub.f32 v1, v2;
	v51 =	vmul.f32 v4, v49;
	v4 =	vmul.f32 $1.442695020e+00, v57;
	v2 =	vpop (erf)  }
0xbb: {  	v56 =	vor.u32 $0x1, v50;
	v3 =	vmul.f32 $1.442695020e+00, v3;
	v53 =	vmul.f32 v2, v49;
	v2 =	vpop (erf)  }
0xbc: {  	v59 =	vor.u32 $0x2, v50;
	v2 =	vmul.f32 v2, v49  }
0xbd: {  	v60 =	vmul.f32 $1.442695020e+00, v54;
	v62 =	vor.u32 $0x3, v50;
	v61 =	vpop (erf);
	(erf) = vpow2.f32 v4  }
.Ltmp2:
0xbe: {  	v57 =	vor.u32 $0x4, v50;
	v4 =	vmul.f32 v58, v49;
	v63 =	vpop (erf);
	(erf) = vpow2.f32 v3;
	(pc) =	sbr.rel @p0 .LBB2_6-.Ltmp2, $4  }
0xbf: {  	v54 =	vor.u32 $0x9, v50;
	v58 =	vor.u32 $0x5, v50;
	[tilespmem:v50+s30+$0x0] =	vst.idx.msk $0xffff, v55;
	v3 =	vpop (erf);
	(erf) = vpow2.f32 v60  }
0xc0: {  	v60 =	vor.u32 $0x6, v50;
	v55 =	vmul.f32 v61, v49;
	[tilespmem:v56+s30+$0x0] =	vst.idx.msk $0xffff, v2;
	v2 =	vmul.f32 $1.442695020e+00, v1  }
0xc1: {  	v61 =	vor.u32 $0x7, v50;
	v56 =	vmul.f32 v63, v49;
	[tilespmem:v59+s30+$0x0] =	vst.idx.msk $0xffff, v4;
	v59 =	vmul.f32 v3, v49;
	v1 =	vpop (erf)  }
0xc2: {  	v63 =	vor.u32 $0x8, v50;
	[tilespmem:v62+s30+$0x0] =	vst.idx.msk $0xffff, v5;
	v1 =	vmul.f32 v1, v49;
	v62 =	vpop (erf);
	(erf) = vpow2.f32 v2  }
0xc3: {  	_ =	sdelay $0x3  }
0xc4: {  	[tilespmem:v57+s30+$0x0] =	vst.idx.msk $0xffff, v52  }
0xc5: {  	[tilespmem:v58+s30+$0x0] =	vst.idx.msk $0xffff, v1;
	v1 =	vor.u32 $0xA, v50  }
0xc6: {  	[tilespmem:v60+s30+$0x0] =	vst.idx.msk $0xffff, v51  }
0xc7: {  	[tilespmem:v61+s30+$0x0] =	vst.idx.msk $0xffff, v53;
	v4 =	vpop (erf)  }
0xc8: {  	v2 =	vor.u32 $0xB, v50;
	[tilespmem:v63+s30+$0x0] =	vst.idx.msk $0xffff, v59;
	v17 =	vpop (erf)  }
0xc9: {  	v3 =	vor.u32 $0xC, v50;
	[tilespmem:v54+s30+$0x0] =	vst.idx.msk $0xffff, v55;
	v20 =	vpop (erf)  }
0xca: {  	v5 =	vor.u32 $0xD, v50;
	[tilespmem:v1+s30+$0x0] =	vst.idx.msk $0xffff, v56;
	v1 =	vmul.f32 v20, v49  }
0xcb: {  	v18 =	vmul.f32 v62, v49;
	v19 =	vor.u32 $0xE, v50  }
0xcc: {  	v63 =	vor.u32 $0xF, v50  }
0xcd: {  	v4 =	vmul.f32 v4, v49;
	[tilespmem:v2+s30+$0x0] =	vst.idx.msk $0xffff, v18  }
0xce: {  	v2 =	vmul.f32 v17, v49;
	[tilespmem:v3+s30+$0x0] =	vst.idx.msk $0xffff, v1;
	v1 =	vpop (erf)  }
0xcf: {  	[tilespmem:v5+s30+$0x0] =	vst.idx.msk $0xffff, v4;
	v1 =	vmul.f32 v1, v49  }
0xd0: {  	[tilespmem:v19+s30+$0x0] =	vst.idx.msk $0xffff, v2  }
0xd1: {  	[tilespmem:v63+s30+$0x0] =	vst.idx.msk $0xffff, v1  }
0xd2: {  	[hbm4b:s6+s23] =	stream.strided.scatter [tilespmem:s30], [sflag:$0x1], $0x400, s24, s23, $0x38;
	[tilespmem:$0x5500] =	vst v63  }
0xd3: {  	_ =	swait.ge [sflag:s25], $0x400  }
0xd4: {  	[sflag:s25] =	ssyncset.done $0x0  }
0xd5: {  	s0 =	simm.s32 $0x1900;
	[sflag:s25] =	ssyncadd.s32 $0xFFFFFC00  }
0xd6: {  	[hbm4b:s7+s23] =	stream.strided.scatter [tilespmem:s0], [sflag:$0x1], $0x400, s24, s23, $0x38;
	[tilespmem:$0x5500] =	vst v63  }
0xd7: {  	_ =	swait.ge [sflag:s25], $0x400  }
0xd8: {  	[sflag:s25] =	ssyncset.done $0x0  }
0xd9: {  	s3 =	simm.s32 $0x1D00;
	[sflag:s25] =	ssyncadd.s32 $0xFFFFFC00  }
0xda: {  	[hbm4b:s8+s23] =	stream.strided.scatter [tilespmem:s3], [sflag:$0x1], $0x400, s24, s23, $0x38;
	[tilespmem:$0x5500] =	vst v63  }
0xdb: {  	_ =	swait.ge [sflag:s25], $0x400  }
0xdc: {  	[sflag:s25] =	ssyncset.done $0x0  }
0xdd: {  	s26 =	simm.s32 $0x2100;
	[sflag:s25] =	ssyncadd.s32 $0xFFFFFC00  }
0xde: {  	[hbm4b:s9+s23] =	stream.strided.scatter [tilespmem:s26], [sflag:$0x1], $0x400, s24, s23, $0x38;
	[tilespmem:$0x5500] =	vst v63  }
0xdf: {  	_ =	swait.ge [sflag:s25], $0x400  }
0xe0: {  	[sflag:s25] =	ssyncset.done $0x0  }
0xe1: {  	s1 =	simm.s32 $0x2500;
	[sflag:s25] =	ssyncadd.s32 $0xFFFFFC00  }
0xe2: {  	[hbm4b:s10+s23] =	stream.strided.scatter [tilespmem:s1], [sflag:$0x1], $0x400, s24, s23, $0x38;
	[tilespmem:$0x5500] =	vst v63  }
0xe3: {  	_ =	swait.ge [sflag:s25], $0x400  }
0xe4: {  	[sflag:s25] =	ssyncset.done $0x0  }
0xe5: {  	s2 =	simm.s32 $0x2900;
	[sflag:s25] =	ssyncadd.s32 $0xFFFFFC00  }
0xe6: {  	[hbm4b:s11+s23] =	stream.strided.scatter [tilespmem:s2], [sflag:$0x1], $0x400, s24, s23, $0x38;
	[tilespmem:$0x5500] =	vst v63  }
0xe7: {  	_ =	swait.ge [sflag:s25], $0x400  }
0xe8: {  	[sflag:s25] =	ssyncset.done $0x0  }
0xe9: {  	s3 =	simm.s32 $0x2D00;
	[sflag:s25] =	ssyncadd.s32 $0xFFFFFC00  }
0xea: {  	[hbm4b:s12+s23] =	stream.strided.scatter [tilespmem:s3], [sflag:$0x1], $0x400, s24, s23, $0x38;
	[tilespmem:$0x5500] =	vst v63  }
0xeb: {  	_ =	swait.ge [sflag:s25], $0x400  }
0xec: {  	[sflag:s25] =	ssyncset.done $0x0  }
0xed: {  	s26 =	simm.s32 $0x3100;
	[sflag:s25] =	ssyncadd.s32 $0xFFFFFC00  }
0xee: {  	[hbm4b:s13+s23] =	stream.strided.scatter [tilespmem:s26], [sflag:$0x1], $0x400, s24, s23, $0x38;
	[tilespmem:$0x5500] =	vst v63  }
0xef: {  	_ =	swait.ge [sflag:s25], $0x400  }
0xf0: {  	[sflag:s25] =	ssyncset.done $0x0  }
0xf1: {  	s1 =	simm.s32 $0x3500;
	[sflag:s25] =	ssyncadd.s32 $0xFFFFFC00  }
0xf2: {  	[hbm4b:s14+s23] =	stream.strided.scatter [tilespmem:s1], [sflag:$0x1], $0x400, s24, s23, $0x38;
	[tilespmem:$0x5500] =	vst v63  }
0xf3: {  	_ =	swait.ge [sflag:s25], $0x400  }
0xf4: {  	[sflag:s25] =	ssyncset.done $0x0  }
0xf5: {  	s2 =	simm.s32 $0x3900;
	[sflag:s25] =	ssyncadd.s32 $0xFFFFFC00  }
0xf6: {  	[hbm4b:s15+s23] =	stream.strided.scatter [tilespmem:s2], [sflag:$0x1], $0x400, s24, s23, $0x38;
	[tilespmem:$0x5500] =	vst v63  }
0xf7: {  	_ =	swait.ge [sflag:s25], $0x400  }
0xf8: {  	[sflag:s25] =	ssyncset.done $0x0  }
0xf9: {  	s3 =	simm.s32 $0x3D00;
	[sflag:s25] =	ssyncadd.s32 $0xFFFFFC00  }
0xfa: {  	[hbm4b:s16+s23] =	stream.strided.scatter [tilespmem:s3], [sflag:$0x1], $0x400, s24, s23, $0x38;
	[tilespmem:$0x5500] =	vst v63  }
0xfb: {  	_ =	swait.ge [sflag:s25], $0x400  }
0xfc: {  	[sflag:s25] =	ssyncset.done $0x0  }
0xfd: {  	s26 =	simm.s32 $0x4100;
	[sflag:s25] =	ssyncadd.s32 $0xFFFFFC00  }
0xfe: {  	[hbm4b:s17+s23] =	stream.strided.scatter [tilespmem:s26], [sflag:$0x1], $0x400, s24, s23, $0x38;
	[tilespmem:$0x5500] =	vst v63  }
0xff: {  	_ =	swait.ge [sflag:s25], $0x400  }
0x100: {  	[sflag:s25] =	ssyncset.done $0x0  }
0x101: {  	s1 =	simm.s32 $0x4500;
	[sflag:s25] =	ssyncadd.s32 $0xFFFFFC00  }
0x102: {  	[hbm4b:s18+s23] =	stream.strided.scatter [tilespmem:s1], [sflag:$0x1], $0x400, s24, s23, $0x38;
	[tilespmem:$0x5500] =	vst v63  }
0x103: {  	_ =	swait.ge [sflag:s25], $0x400  }
0x104: {  	[sflag:s25] =	ssyncset.done $0x0  }
0x105: {  	s2 =	simm.s32 $0x4900;
	[sflag:s25] =	ssyncadd.s32 $0xFFFFFC00  }
0x106: {  	[hbm4b:s19+s23] =	stream.strided.scatter [tilespmem:s2], [sflag:$0x1], $0x400, s24, s23, $0x38;
	[tilespmem:$0x5500] =	vst v63  }
0x107: {  	_ =	swait.ge [sflag:s25], $0x400  }
0x108: {  	[sflag:s25] =	ssyncset.done $0x0  }
0x109: {  	s3 =	simm.s32 $0x4D00;
	[sflag:s25] =	ssyncadd.s32 $0xFFFFFC00  }
0x10a: {  	[hbm4b:s20+s23] =	stream.strided.scatter [tilespmem:s3], [sflag:$0x1], $0x400, s24, s23, $0x38;
	[tilespmem:$0x5500] =	vst v63  }
0x10b: {  	s31 =	sadd.s32 $0x1, s31;
	_ =	swait.ge [sflag:s25], $0x400  }
0x10c: {  	p0 =	sne.s32 s31, s22;
	[sflag:s25] =	ssyncset.done $0x0  }
.Ltmp3:
0x10d: {  	s26 =	simm.s32 $0x5100;
	[sflag:s25] =	ssyncadd.s32 $0xFFFFFC00;
	(pc) =	sbr.rel @p0 .LBB2_1-.Ltmp3, $4  }
0x10e: {  	[hbm4b:s21+s23] =	stream.strided.scatter [tilespmem:s26], [sflag:$0x1], $0x400, s24, s23, $0x38;
	[tilespmem:$0x5500] =	vst v63  }
0x10f: {  	_ =	swait.ge [sflag:s25], $0x400  }
0x110: {  	[sflag:s25] =	ssyncset.done $0x0  }
0x111: {  	[sflag:s25] =	ssyncadd.s32 $0xFFFFFC00  }
0x112: {  	_ =	sfence.sel $0x180000  }
0x113: {  	[bflag:$0x0] =	sbarrier.arrive $0xFFFF  }
0x114: {  	_ =	strace $0x90000047  }
0x115: {  	s0 =	stileid.u32;
	[bflag:$0x2] =	sbarrier.arrive $0xFFFF  }
0x116: {  	p0 =	sne.s32 s0, $0x0;
	s0 =	rddreg [dreg:$0x2]  }
0x117: {  	s0 =	sadd.s32 @!p0 $0x100000, s0  }
0x118: {  	[sflag:s0] =	ssyncadd.tile.s32 @!p0 $0x1;
	_ =	shalt  }
.Lfunc_end2:
_tile_overlayer_lowered:
.L_overlay_start_2:
0x119: {  	(tag) =	ssettag $0x2  }
0x11a: {  	s0 =	rddreg [dreg:$0x0];
	s2 =	stileid.u32  }
0x11b: {  	s1 =	rddreg [dreg:$0x1];
	p0 =	sne.s32 s2, $0x0  }
0x11c: {  	s3 =	rddreg [dreg:$0x2];
	[bflag:$0x3] =	sbarrier.arrive $0xFFFF;
	s2 =	simm.s32 @!p0 $0x1C01  }
0x11d: {  	[timem:s3], [sflag:s2] =	dma.local @!p0 [hbm:s0], s1  }
0x11e: {  	s0 =	simm.s32 @!p0 $0x1  }
0x11f: {  	_ =	swait.ge @!p0 [sflag:s0], s1  }
0x120: {  	s1 =	ssub.s32 @!p0 $0x0, s1;
	[sflag:s0] =	ssyncset.done @!p0 $0x0  }
0x121: {  	[sflag:s0] =	ssyncadd.s32 @!p0 s1  }
0x122: {  	[bflag:$0x3] =	sbarrier.arrive $0xFFFF  }
0x123: {  	_ =	shalt  }

</sc_bundles>
